<compile_context>
chip_gen: v7x
topology: tpu7x:2x2x1
jax: 0.10.2.dev20260603
libtpu: 0.0.44.dev20260713+nightly
codegen_flags: <defaults>
</compile_context>

<pallas_src>
import functools

import jax
import jax.numpy as jnp
from jax import lax
from jax.experimental import pallas as pl
from jax.experimental.pallas import tpu as pltpu
from jax.experimental.pallas import tpu_sc as plsc

N = 10000
D = 128
E = 320000
G = 64

NC = 2
NS = 16
DH = D // NC
EPW = E // NS
CH = 80
NCH = EPW // CH
NB = 5
NPAD = 10240
RPS = NPAD // NS
ZFULL = RPS // CH
ZREM = RPS - ZFULL * CH


def _sc_aggregate(x2, srcs, dsts):
    mesh = plsc.VectorSubcoreMesh(core_axis_name="c", subcore_axis_name="s")

    @functools.partial(
        pl.kernel,
        out_type=jax.ShapeDtypeStruct((NC, NPAD, DH), jnp.float32),
        mesh=mesh,
        compiler_params=pltpu.CompilerParams(use_tc_tiling_on_sc=False),
        scratch_types=[
            pltpu.VMEM((EPW,), jnp.int32),
            pltpu.VMEM((NCH, CH), jnp.int32),
            pltpu.VMEM((NB, CH, DH), jnp.float32),
            pltpu.VMEM_SHARED((NPAD, DH), jnp.float32),
            pltpu.SemaphoreType.DMA((NB,)),
            pltpu.SemaphoreType.DMA((NB,)),
        ],
    )
    def agg_kernel(x_hbm, src_hbm, dst_hbm, out_hbm,
                   src_v, dst_v, bufs, agg_sh, gsem, ssem):
        c = lax.axis_index("c")
        s = lax.axis_index("s")
        base = s * RPS

        pltpu.sync_copy(src_hbm.at[s], src_v)
        pltpu.sync_copy(dst_hbm.at[s], dst_v)

        @pl.loop(0, EPW // 16)
        def _(t):
            sl = pl.ds(t * 16, 16)
            src_v[sl] = src_v[sl] * 2 + c

        @pl.loop(0, CH)
        def _(r):
            @pl.loop(0, DH // 16)
            def _(k):
                bufs[0, r, pl.ds(k * 16, 16)] = jnp.zeros((16,), jnp.float32)

        @pl.loop(0, ZFULL)
        def _(z):
            pltpu.sync_copy(bufs.at[0], agg_sh.at[pl.ds(base + z * CH, CH)])

        if ZREM:
            pltpu.sync_copy(bufs.at[0, pl.ds(0, ZREM)],
                            agg_sh.at[pl.ds(base + ZFULL * CH, ZREM)])

        plsc.subcore_barrier()

        def fire_gather(b, j):
            pltpu.async_copy(x_hbm.at[src_v.at[pl.ds(j * CH, CH)]],
                             bufs.at[b], gsem.at[b])

        def wait_gather(b):
            pltpu.make_async_copy(x_hbm.at[src_v.at[pl.ds(0, CH)]],
                                  bufs.at[b], gsem.at[b]).wait()

        def fire_scatter(b, j):
            pltpu.async_copy(bufs.at[b], agg_sh.at[dst_v.at[j]],
                             ssem.at[b], add=True)

        def wait_scatter(b):
            pltpu.make_async_copy(bufs.at[b], agg_sh.at[dst_v.at[0]],
                                  ssem.at[b]).wait()

        for b in range(NB):
            fire_gather(b, b)

        @pl.loop(0, NCH - NB, step=NB)
        def _(j):
            for b in range(NB):
                wait_gather(b)
                fire_scatter(b, j + b)
            for b in range(NB):
                wait_scatter(b)
                fire_gather(b, j + NB + b)

        for b in range(NB):
            wait_gather(b)
            fire_scatter(b, NCH - NB + b)
        for b in range(NB):
            wait_scatter(b)

        plsc.subcore_barrier()

        pltpu.sync_copy(agg_sh.at[pl.ds(base, RPS)],
                        out_hbm.at[c].at[pl.ds(base, RPS)])

    return agg_kernel(x2, srcs, dsts)


def _tc_head(x, agg2, batch2, W1, b1r, w2r, b2r):
    def body(x_ref, agg_ref, batch_ref, w1_ref, b1_ref, w2_ref, b2_ref,
             out_ref):
        w1 = w1_ref[...]
        h = jnp.dot(x_ref[...], w1, preferred_element_type=jnp.float32)
        h += jnp.dot(agg_ref[0, :N, :], w1[:DH, :],
                     preferred_element_type=jnp.float32)
        h += jnp.dot(agg_ref[1, :N, :], w1[DH:, :],
                     preferred_element_type=jnp.float32)
        h = jnp.maximum(h + b1_ref[...], 0.0)
        y = jnp.sum(h * w2_ref[...], axis=1, keepdims=True)
        gids = lax.broadcasted_iota(jnp.int32, (1, G), 1)
        contrib = jnp.where(batch_ref[...] == gids, y, 0.0)
        pooled = jnp.sum(contrib, axis=0)
        out_ref[...] = pooled[:, None] + b2_ref[0, 0]

    return pl.pallas_call(
        body,
        out_shape=jax.ShapeDtypeStruct((G, 1), jnp.float32),
    )(x, agg2, batch2, W1, b1r, w2r, b2r)


def kernel(x, edge_index, batch, W1, b1, W2, b2):
    x2 = x.reshape(2 * N, DH)
    srcs = edge_index[0].reshape(NS, EPW)
    dsts = edge_index[1].reshape(NS, NCH, CH)
    agg2 = _sc_aggregate(x2, srcs, dsts)
    return _tc_head(x, agg2, batch.reshape(N, 1), W1,
                    b1.reshape(1, D), W2.reshape(1, D), b2.reshape(1, 1))

# --- scband reference (transcript-rebuilt; emitter-appended) ---
"""Pipeline reference for scband-custom-model-65661460021664 (READ-ONLY COPY).

The authoritative reference and input builder live on the scoring server;
editing this copy changes nothing except your own understanding.
"""

import jax, jax.numpy as jnp
import numpy as np

N = 10000
E = 320000
D = 128
G = 64
OUT = 1
EPS = 0.0

def setup_inputs(seed: int = 0) -> dict:
    key = jax.random.key(seed)
    ks = jax.random.split(key, 8)
    x = jax.random.normal(ks[0], (N, D), dtype=jnp.float32)
    edge_index = jax.random.randint(ks[1], (2, E), 0, N, dtype=jnp.int32)
    batch = jnp.sort(jax.random.randint(ks[2], (N,), 0, G, dtype=jnp.int32))
    W1 = jax.random.normal(ks[3], (D, D), dtype=jnp.float32) * (1.0 / np.sqrt(D))
    b1 = jnp.zeros((D,), dtype=jnp.float32)
    W2 = jax.random.normal(ks[4], (D, OUT), dtype=jnp.float32) * (1.0 / np.sqrt(D))
    b2 = jnp.zeros((OUT,), dtype=jnp.float32)
    return {"x": x, "edge_index": edge_index, "batch": batch, "W1": W1, "b1": b1, "W2": W2, "b2": b2}

def reference(x, edge_index, batch, W1, b1, W2, b2):
    # GINConvSequentialRelu: h = ReLU(Linear((1+eps)*x + sum_{j->i} x_j))
    src = edge_index[0]
    dst = edge_index[1]
    msgs = jnp.take(x, src, axis=0)
    agg = jax.ops.segment_sum(msgs, dst, num_segments=N)
    h = (1.0 + EPS) * x + agg
    h = jax.nn.relu(h @ W1 + b1)
    # torch_geometric.global_add_pool over batch assignment
    pooled = jax.ops.segment_sum(h, batch, num_segments=G)
    # output Linear layer
    out = pooled @ W2 + b2
    return out

if __name__ == "__main__":
    import jax
    _d = setup_inputs()
    print(jax.jit(kernel)(*tuple(_d.values())))

</pallas_src>

<mosaic_0001>
#map = affine_map<(d0, d1) -> (0, 0)>
#map1 = affine_map<(d0, d1) -> (0, 0, 0)>
module attributes {stable_mosaic.version = 14 : i64} {
  func.func @agg_kernel(%arg0: i32, %arg1: i32, %arg2: memref<20000x64xf32, #tpu.memory_space<hbm>>, %arg3: memref<16x20000xi32, #tpu.memory_space<hbm>>, %arg4: memref<16x250x80xi32, #tpu.memory_space<hbm>>, %arg5: memref<2x10240x64xf32, #tpu.memory_space<hbm>>, %arg6: memref<20000xi32, #tpu.memory_space<vmem>>, %arg7: memref<250x80xi32, #tpu.memory_space<vmem>>, %arg8: memref<5x80x64xf32, #tpu.memory_space<vmem>>, %arg9: memref<10240x64xf32, #tpu.memory_space<vmem_shared>>, %arg10: memref<5x!tpu.dma_semaphore, #tpu.memory_space<semaphore_mem>>, %arg11: memref<5x!tpu.dma_semaphore, #tpu.memory_space<semaphore_mem>>) attributes {dimension_semantics = [#tpu.dimension_semantics<core_parallel>, #tpu.dimension_semantics<subcore_parallel>], iteration_bounds = array<i64: 2, 16>, scalar_prefetch = 0 : i64, scratch_operands = 6 : i64, tpu.core_type = #tpu.core_type<sc_vector_subcore>, window_params = [{transform_indices = #map}, {transform_indices = #map}, {transform_indices = #map1}, {transform_indices = #map1}]} {
    %mul3A = arith.constant 640 : i32
    %mul3A_0 = arith.muli %arg1, %mul3A : i32
    "tpu.region"() ({
      %run_scoped3A = tpu.sem_alloc : memref<!tpu.dma_semaphore, #tpu.memory_space<semaphore_mem>>
      %dma_start3A_299 = arith.constant 0 : i32
      %dma_start3A_300 = tpu.memref_slice %arg3[%arg1, %dma_start3A_299] : memref<16x20000xi32, #tpu.memory_space<hbm>> -> memref<1x20000xi32, #tpu.memory_space<hbm>>
      %dma_start3A_301 = tpu.memref_squeeze %dma_start3A_300 : memref<1x20000xi32, #tpu.memory_space<hbm>> -> memref<20000xi32, #tpu.memory_space<hbm>>
      %dma_start3A_302 = arith.constant 0 : i32
      %dma_start3A_303 = tpu.memref_slice %arg3[%arg1, %dma_start3A_302] : memref<16x20000xi32, #tpu.memory_space<hbm>> -> memref<1x20000xi32, #tpu.memory_space<hbm>>
      %dma_start3A_304 = tpu.memref_squeeze %dma_start3A_303 : memref<1x20000xi32, #tpu.memory_space<hbm>> -> memref<20000xi32, #tpu.memory_space<hbm>>
      tpu.enqueue_dma source(%dma_start3A_304 : memref<20000xi32, #tpu.memory_space<hbm>>) target(%arg6 : memref<20000xi32, #tpu.memory_space<vmem>>) target_semaphore(%run_scoped3A : memref<!tpu.dma_semaphore, #tpu.memory_space<semaphore_mem>>)
      %dma_wait3A_305 = arith.constant 0 : i32
      %dma_wait3A_306 = tpu.memref_slice %arg3[%arg1, %dma_wait3A_305] : memref<16x20000xi32, #tpu.memory_space<hbm>> -> memref<1x20000xi32, #tpu.memory_space<hbm>>
      %dma_wait3A_307 = tpu.memref_squeeze %dma_wait3A_306 : memref<1x20000xi32, #tpu.memory_space<hbm>> -> memref<20000xi32, #tpu.memory_space<hbm>>
      %dma_wait3A_308 = arith.constant 0 : i32
      %dma_wait3A_309 = tpu.memref_slice %arg3[%arg1, %dma_wait3A_308] : memref<16x20000xi32, #tpu.memory_space<hbm>> -> memref<1x20000xi32, #tpu.memory_space<hbm>>
      %dma_wait3A_310 = tpu.memref_squeeze %dma_wait3A_309 : memref<1x20000xi32, #tpu.memory_space<hbm>> -> memref<20000xi32, #tpu.memory_space<hbm>>
      tpu.wait_dma2 semaphore(%run_scoped3A : memref<!tpu.dma_semaphore, #tpu.memory_space<semaphore_mem>>) src(%dma_wait3A_310 : memref<20000xi32, #tpu.memory_space<hbm>>) dst(%arg6 : memref<20000xi32, #tpu.memory_space<vmem>>)
      tpu.yield
    }) : () -> ()
    "tpu.region"() ({
      %run_scoped3A = tpu.sem_alloc : memref<!tpu.dma_semaphore, #tpu.memory_space<semaphore_mem>>
      %dma_start3A_299 = arith.constant 0 : i32
      %dma_start3A_300 = arith.constant 0 : i32
      %dma_start3A_301 = tpu.memref_slice %arg4[%arg1, %dma_start3A_299, %dma_start3A_300] : memref<16x250x80xi32, #tpu.memory_space<hbm>> -> memref<1x250x80xi32, #tpu.memory_space<hbm>>
      %dma_start3A_302 = tpu.memref_squeeze %dma_start3A_301 : memref<1x250x80xi32, #tpu.memory_space<hbm>> -> memref<250x80xi32, #tpu.memory_space<hbm>>
      %dma_start3A_303 = arith.constant 0 : i32
      %dma_start3A_304 = arith.constant 0 : i32
      %dma_start3A_305 = tpu.memref_slice %arg4[%arg1, %dma_start3A_303, %dma_start3A_304] : memref<16x250x80xi32, #tpu.memory_space<hbm>> -> memref<1x250x80xi32, #tpu.memory_space<hbm>>
      %dma_start3A_306 = tpu.memref_squeeze %dma_start3A_305 : memref<1x250x80xi32, #tpu.memory_space<hbm>> -> memref<250x80xi32, #tpu.memory_space<hbm>>
      tpu.enqueue_dma source(%dma_start3A_306 : memref<250x80xi32, #tpu.memory_space<hbm>>) target(%arg7 : memref<250x80xi32, #tpu.memory_space<vmem>>) target_semaphore(%run_scoped3A : memref<!tpu.dma_semaphore, #tpu.memory_space<semaphore_mem>>)
      %dma_wait3A_307 = arith.constant 0 : i32
      %dma_wait3A_308 = arith.constant 0 : i32
      %dma_wait3A_309 = tpu.memref_slice %arg4[%arg1, %dma_wait3A_307, %dma_wait3A_308] : memref<16x250x80xi32, #tpu.memory_space<hbm>> -> memref<1x250x80xi32, #tpu.memory_space<hbm>>
      %dma_wait3A_310 = tpu.memref_squeeze %dma_wait3A_309 : memref<1x250x80xi32, #tpu.memory_space<hbm>> -> memref<250x80xi32, #tpu.memory_space<hbm>>
      %dma_wait3A_311 = arith.constant 0 : i32
      %dma_wait3A_312 = arith.constant 0 : i32
      %dma_wait3A_313 = tpu.memref_slice %arg4[%arg1, %dma_wait3A_311, %dma_wait3A_312] : memref<16x250x80xi32, #tpu.memory_space<hbm>> -> memref<1x250x80xi32, #tpu.memory_space<hbm>>
      %dma_wait3A_314 = tpu.memref_squeeze %dma_wait3A_313 : memref<1x250x80xi32, #tpu.memory_space<hbm>> -> memref<250x80xi32, #tpu.memory_space<hbm>>
      tpu.wait_dma2 semaphore(%run_scoped3A : memref<!tpu.dma_semaphore, #tpu.memory_space<semaphore_mem>>) src(%dma_wait3A_314 : memref<250x80xi32, #tpu.memory_space<hbm>>) dst(%arg7 : memref<250x80xi32, #tpu.memory_space<vmem>>)
      tpu.yield
    }) : () -> ()
    %scan3A = arith.constant 0 : i32
    %scan3A_1 = arith.constant 1250 : i32
    %scan3A_2 = arith.addi %scan3A, %scan3A_1 : i32
    %scan3A_3 = arith.constant 1 : i32
    scf.for %scan3A_299 = %scan3A to %scan3A_2 step %scan3A_3  : i32 {
      %mul3A_300 = arith.constant 1 : i32
      %mul3A_301 = arith.muli %scan3A_299, %mul3A_300 : i32
      %add3A = arith.constant 0 : i32
      %add3A_302 = arith.addi %add3A, %mul3A_301 : i32
      %mul3A_303 = arith.constant 16 : i32
      %mul3A_304 = arith.muli %add3A_302, %mul3A_303 : i32
      %get3A = arith.index_cast %mul3A_304 : i32 to index
      %get3A_305 = tpu.vector_load %arg6[%get3A] {strides = array<i32>} : memref<20000xi32, #tpu.memory_space<vmem>>, vector<16xi32>,
      %get3A_306 = vector.shape_cast %get3A_305 : vector<16xi32> to vector<16xi32>
      %mul3A_307 = arith.constant 2 : i32
      %mul3A_308 = vector.broadcast %mul3A_307 : i32 to vector<16xi32>
      %mul3A_309 = arith.muli %get3A_306, %mul3A_308 : vector<16xi32>
      %add3A_310 = vector.broadcast %arg0 : i32 to vector<16xi32>
      %add3A_311 = arith.addi %mul3A_309, %add3A_310 : vector<16xi32>
      %swap3A = arith.index_cast %mul3A_304 : i32 to index
      %swap3A_312 = tpu.vector_load %arg6[%swap3A] {strides = array<i32>} : memref<20000xi32, #tpu.memory_space<vmem>>, vector<16xi32>,
      %swap3A_313 = vector.shape_cast %swap3A_312 : vector<16xi32> to vector<16xi32>
      %swap3A_314 = vector.shape_cast %add3A_311 : vector<16xi32> to vector<16xi32>
      tpu.vector_store %arg6[%swap3A], %swap3A_314 {strides = array<i32>} : memref<20000xi32, #tpu.memory_space<vmem>>, vector<16xi32>,
    }
    %scan3A_4 = arith.constant 1250 : i32
    %scan3A_5 = arith.constant 0 : i32
    %scan3A_6 = arith.constant 80 : i32
    %scan3A_7 = arith.addi %scan3A_5, %scan3A_6 : i32
    %scan3A_8 = arith.constant 1 : i32
    scf.for %scan3A_299 = %scan3A_5 to %scan3A_7 step %scan3A_8  : i32 {
      %mul3A_300 = arith.constant 1 : i32
      %mul3A_301 = arith.muli %scan3A_299, %mul3A_300 : i32
      %add3A = arith.constant 0 : i32
      %add3A_302 = arith.addi %add3A, %mul3A_301 : i32
      %scan3A_303 = arith.constant 0 : i32
      %scan3A_304 = arith.constant 4 : i32
      %scan3A_305 = arith.addi %scan3A_303, %scan3A_304 : i32
      %scan3A_306 = arith.constant 1 : i32
      scf.for %scan3A_308 = %scan3A_303 to %scan3A_305 step %scan3A_306  : i32 {
        %mul3A_309 = arith.constant 1 : i32
        %mul3A_310 = arith.muli %scan3A_308, %mul3A_309 : i32
        %add3A_311 = arith.constant 0 : i32
        %add3A_312 = arith.addi %add3A_311, %mul3A_310 : i32
        %broadcast_in_dim3A = arith.constant 0.000000e+00 : f32
        %broadcast_in_dim3A_313 = vector.broadcast %broadcast_in_dim3A : f32 to vector<16xf32>
        %mul3A_314 = arith.constant 16 : i32
        %mul3A_315 = arith.muli %add3A_312, %mul3A_314 : i32
        %swap3A = arith.constant 0 : i32
        %swap3A_316 = arith.index_cast %swap3A : i32 to index
        %swap3A_317 = arith.index_cast %add3A_302 : i32 to index
        %swap3A_318 = arith.index_cast %mul3A_315 : i32 to index
        %swap3A_319 = tpu.vector_load %arg8[%swap3A_316, %swap3A_317, %swap3A_318] {strides = array<i32>} : memref<5x80x64xf32, #tpu.memory_space<vmem>>, vector<1x1x16xf32>,
        %swap3A_320 = vector.shape_cast %swap3A_319 : vector<1x1x16xf32> to vector<16xf32>
        %swap3A_321 = vector.shape_cast %broadcast_in_dim3A_313 : vector<16xf32> to vector<1x1x16xf32>
        tpu.vector_store %arg8[%swap3A_316, %swap3A_317, %swap3A_318], %swap3A_321 {strides = array<i32>} : memref<5x80x64xf32, #tpu.memory_space<vmem>>, vector<1x1x16xf32>,
      }
      %scan3A_307 = arith.constant 4 : i32
    }
    %scan3A_9 = arith.constant 80 : i32
    %scan3A_10 = arith.constant 0 : i32
    %scan3A_11 = arith.constant 8 : i32
    %scan3A_12 = arith.addi %scan3A_10, %scan3A_11 : i32
    %scan3A_13 = arith.constant 1 : i32
    scf.for %scan3A_299 = %scan3A_10 to %scan3A_12 step %scan3A_13  : i32 {
      %mul3A_300 = arith.constant 1 : i32
      %mul3A_301 = arith.muli %scan3A_299, %mul3A_300 : i32
      %add3A = arith.constant 0 : i32
      %add3A_302 = arith.addi %add3A, %mul3A_301 : i32
      %mul3A_303 = arith.constant 80 : i32
      %mul3A_304 = arith.muli %add3A_302, %mul3A_303 : i32
      %add3A_305 = arith.addi %mul3A_0, %mul3A_304 : i32
      %run_scoped3A = arith.constant 0 : i32
      "tpu.region"() ({
        %run_scoped3A_306 = tpu.sem_alloc : memref<!tpu.dma_semaphore, #tpu.memory_space<semaphore_mem>>
        %dma_start3A_307 = arith.constant 0 : i32
        %dma_start3A_308 = arith.constant 0 : i32
        %dma_start3A_309 = tpu.memref_slice %arg8[%run_scoped3A, %dma_start3A_307, %dma_start3A_308] : memref<5x80x64xf32, #tpu.memory_space<vmem>> -> memref<1x80x64xf32, #tpu.memory_space<vmem>>
        %dma_start3A_310 = tpu.memref_squeeze %dma_start3A_309 : memref<1x80x64xf32, #tpu.memory_space<vmem>> -> memref<80x64xf32, #tpu.memory_space<vmem>>
        %dma_start3A_311 = arith.constant 0 : i32
        %dma_start3A_312 = tpu.memref_slice %arg9[%add3A_305, %dma_start3A_311] : memref<10240x64xf32, #tpu.memory_space<vmem_shared>> -> memref<80x64xf32, #tpu.memory_space<vmem_shared>>
        %dma_start3A_313 = arith.constant 0 : i32
        %dma_start3A_314 = tpu.memref_slice %arg9[%add3A_305, %dma_start3A_313] : memref<10240x64xf32, #tpu.memory_space<vmem_shared>> -> memref<80x64xf32, #tpu.memory_space<vmem_shared>>
        %dma_start3A_315 = arith.constant 0 : i32
        %dma_start3A_316 = arith.constant 0 : i32
        %dma_start3A_317 = tpu.memref_slice %arg8[%run_scoped3A, %dma_start3A_315, %dma_start3A_316] : memref<5x80x64xf32, #tpu.memory_space<vmem>> -> memref<1x80x64xf32, #tpu.memory_space<vmem>>
        %dma_start3A_318 = tpu.memref_squeeze %dma_start3A_317 : memref<1x80x64xf32, #tpu.memory_space<vmem>> -> memref<80x64xf32, #tpu.memory_space<vmem>>
        tpu.enqueue_dma source(%dma_start3A_318 : memref<80x64xf32, #tpu.memory_space<vmem>>) target(%dma_start3A_314 : memref<80x64xf32, #tpu.memory_space<vmem_shared>>) target_semaphore(%run_scoped3A_306 : memref<!tpu.dma_semaphore, #tpu.memory_space<semaphore_mem>>)
        %dma_wait3A_319 = arith.constant 0 : i32
        %dma_wait3A_320 = arith.constant 0 : i32
        %dma_wait3A_321 = tpu.memref_slice %arg8[%run_scoped3A, %dma_wait3A_319, %dma_wait3A_320] : memref<5x80x64xf32, #tpu.memory_space<vmem>> -> memref<1x80x64xf32, #tpu.memory_space<vmem>>
        %dma_wait3A_322 = tpu.memref_squeeze %dma_wait3A_321 : memref<1x80x64xf32, #tpu.memory_space<vmem>> -> memref<80x64xf32, #tpu.memory_space<vmem>>
        %dma_wait3A_323 = arith.constant 0 : i32
        %dma_wait3A_324 = tpu.memref_slice %arg9[%add3A_305, %dma_wait3A_323] : memref<10240x64xf32, #tpu.memory_space<vmem_shared>> -> memref<80x64xf32, #tpu.memory_space<vmem_shared>>
        %dma_wait3A_325 = arith.constant 0 : i32
        %dma_wait3A_326 = tpu.memref_slice %arg9[%add3A_305, %dma_wait3A_325] : memref<10240x64xf32, #tpu.memory_space<vmem_shared>> -> memref<80x64xf32, #tpu.memory_space<vmem_shared>>
        %dma_wait3A_327 = arith.constant 0 : i32
        %dma_wait3A_328 = arith.constant 0 : i32
        %dma_wait3A_329 = tpu.memref_slice %arg8[%run_scoped3A, %dma_wait3A_327, %dma_wait3A_328] : memref<5x80x64xf32, #tpu.memory_space<vmem>> -> memref<1x80x64xf32, #tpu.memory_space<vmem>>
        %dma_wait3A_330 = tpu.memref_squeeze %dma_wait3A_329 : memref<1x80x64xf32, #tpu.memory_space<vmem>> -> memref<80x64xf32, #tpu.memory_space<vmem>>
        tpu.wait_dma2 semaphore(%run_scoped3A_306 : memref<!tpu.dma_semaphore, #tpu.memory_space<semaphore_mem>>) src(%dma_wait3A_330 : memref<80x64xf32, #tpu.memory_space<vmem>>) dst(%dma_wait3A_326 : memref<80x64xf32, #tpu.memory_space<vmem_shared>>)
        tpu.yield
      }) : () -> ()
    }
    %scan3A_14 = arith.constant 8 : i32
    %barrier3A = arith.constant 0 : index
    tpu.barrier barrier_id(%barrier3A)
    %dma_start3A = arith.constant 0 : i32
    %dma_start3A_15 = arith.constant 0 : i32
    %dma_start3A_16 = arith.constant 0 : i32
    %dma_start3A_17 = arith.constant 0 : i32
    %dma_start3A_18 = tpu.memref_slice %arg8[%dma_start3A, %dma_start3A_16, %dma_start3A_17] : memref<5x80x64xf32, #tpu.memory_space<vmem>> -> memref<1x80x64xf32, #tpu.memory_space<vmem>>
    %dma_start3A_19 = tpu.memref_squeeze %dma_start3A_18 : memref<1x80x64xf32, #tpu.memory_space<vmem>> -> memref<80x64xf32, #tpu.memory_space<vmem>>
    %dma_start3A_20 = arith.constant 0 : i32
    %dma_start3A_21 = tpu.memref_slice %arg6[%dma_start3A_20] : memref<20000xi32, #tpu.memory_space<vmem>> -> memref<80xi32, #tpu.memory_space<vmem>>
    %dma_start3A_22 = arith.constant 0 : i32
    %dma_start3A_23 = arith.constant 0 : i32
    %dma_start3A_24 = tpu.memref_slice %arg2[%dma_start3A_22, %dma_start3A_23] : memref<20000x64xf32, #tpu.memory_space<hbm>> -> memref<20000x64xf32, #tpu.memory_space<hbm>>
    %dma_start3A_25 = tpu.memref_slice %arg10[%dma_start3A_15] : memref<5x!tpu.dma_semaphore, #tpu.memory_space<semaphore_mem>> -> memref<1x!tpu.dma_semaphore, #tpu.memory_space<semaphore_mem>>
    %dma_start3A_26 = tpu.memref_squeeze %dma_start3A_25 : memref<1x!tpu.dma_semaphore, #tpu.memory_space<semaphore_mem>> -> memref<!tpu.dma_semaphore, #tpu.memory_space<semaphore_mem>>
    tpu.enqueue_indirect_dma source(%dma_start3A_24 : memref<20000x64xf32, #tpu.memory_space<hbm>>) target(%dma_start3A_19 : memref<80x64xf32, #tpu.memory_space<vmem>>) offsets(%dma_start3A_21 : memref<80xi32, #tpu.memory_space<vmem>>) semaphore(%dma_start3A_26 : memref<!tpu.dma_semaphore, #tpu.memory_space<semaphore_mem>>)
    %dma_start3A_27 = arith.constant 1 : i32
    %dma_start3A_28 = arith.constant 1 : i32
    %dma_start3A_29 = arith.constant 0 : i32
    %dma_start3A_30 = arith.constant 0 : i32
    %dma_start3A_31 = tpu.memref_slice %arg8[%dma_start3A_27, %dma_start3A_29, %dma_start3A_30] : memref<5x80x64xf32, #tpu.memory_space<vmem>> -> memref<1x80x64xf32, #tpu.memory_space<vmem>>
    %dma_start3A_32 = tpu.memref_squeeze %dma_start3A_31 : memref<1x80x64xf32, #tpu.memory_space<vmem>> -> memref<80x64xf32, #tpu.memory_space<vmem>>
    %dma_start3A_33 = arith.constant 80 : i32
    %dma_start3A_34 = tpu.memref_slice %arg6[%dma_start3A_33] : memref<20000xi32, #tpu.memory_space<vmem>> -> memref<80xi32, #tpu.memory_space<vmem>>
    %dma_start3A_35 = arith.constant 0 : i32
    %dma_start3A_36 = arith.constant 0 : i32
    %dma_start3A_37 = tpu.memref_slice %arg2[%dma_start3A_35, %dma_start3A_36] : memref<20000x64xf32, #tpu.memory_space<hbm>> -> memref<20000x64xf32, #tpu.memory_space<hbm>>
    %dma_start3A_38 = tpu.memref_slice %arg10[%dma_start3A_28] : memref<5x!tpu.dma_semaphore, #tpu.memory_space<semaphore_mem>> -> memref<1x!tpu.dma_semaphore, #tpu.memory_space<semaphore_mem>>
    %dma_start3A_39 = tpu.memref_squeeze %dma_start3A_38 : memref<1x!tpu.dma_semaphore, #tpu.memory_space<semaphore_mem>> -> memref<!tpu.dma_semaphore, #tpu.memory_space<semaphore_mem>>
    tpu.enqueue_indirect_dma source(%dma_start3A_37 : memref<20000x64xf32, #tpu.memory_space<hbm>>) target(%dma_start3A_32 : memref<80x64xf32, #tpu.memory_space<vmem>>) offsets(%dma_start3A_34 : memref<80xi32, #tpu.memory_space<vmem>>) semaphore(%dma_start3A_39 : memref<!tpu.dma_semaphore, #tpu.memory_space<semaphore_mem>>)
    %dma_start3A_40 = arith.constant 2 : i32
    %dma_start3A_41 = arith.constant 2 : i32
    %dma_start3A_42 = arith.constant 0 : i32
    %dma_start3A_43 = arith.constant 0 : i32
    %dma_start3A_44 = tpu.memref_slice %arg8[%dma_start3A_40, %dma_start3A_42, %dma_start3A_43] : memref<5x80x64xf32, #tpu.memory_space<vmem>> -> memref<1x80x64xf32, #tpu.memory_space<vmem>>
    %dma_start3A_45 = tpu.memref_squeeze %dma_start3A_44 : memref<1x80x64xf32, #tpu.memory_space<vmem>> -> memref<80x64xf32, #tpu.memory_space<vmem>>
    %dma_start3A_46 = arith.constant 160 : i32
    %dma_start3A_47 = tpu.memref_slice %arg6[%dma_start3A_46] : memref<20000xi32, #tpu.memory_space<vmem>> -> memref<80xi32, #tpu.memory_space<vmem>>
    %dma_start3A_48 = arith.constant 0 : i32
    %dma_start3A_49 = arith.constant 0 : i32
    %dma_start3A_50 = tpu.memref_slice %arg2[%dma_start3A_48, %dma_start3A_49] : memref<20000x64xf32, #tpu.memory_space<hbm>> -> memref<20000x64xf32, #tpu.memory_space<hbm>>
    %dma_start3A_51 = tpu.memref_slice %arg10[%dma_start3A_41] : memref<5x!tpu.dma_semaphore, #tpu.memory_space<semaphore_mem>> -> memref<1x!tpu.dma_semaphore, #tpu.memory_space<semaphore_mem>>
    %dma_start3A_52 = tpu.memref_squeeze %dma_start3A_51 : memref<1x!tpu.dma_semaphore, #tpu.memory_space<semaphore_mem>> -> memref<!tpu.dma_semaphore, #tpu.memory_space<semaphore_mem>>
    tpu.enqueue_indirect_dma source(%dma_start3A_50 : memref<20000x64xf32, #tpu.memory_space<hbm>>) target(%dma_start3A_45 : memref<80x64xf32, #tpu.memory_space<vmem>>) offsets(%dma_start3A_47 : memref<80xi32, #tpu.memory_space<vmem>>) semaphore(%dma_start3A_52 : memref<!tpu.dma_semaphore, #tpu.memory_space<semaphore_mem>>)
    %dma_start3A_53 = arith.constant 3 : i32
    %dma_start3A_54 = arith.constant 3 : i32
    %dma_start3A_55 = arith.constant 0 : i32
    %dma_start3A_56 = arith.constant 0 : i32
    %dma_start3A_57 = tpu.memref_slice %arg8[%dma_start3A_53, %dma_start3A_55, %dma_start3A_56] : memref<5x80x64xf32, #tpu.memory_space<vmem>> -> memref<1x80x64xf32, #tpu.memory_space<vmem>>
    %dma_start3A_58 = tpu.memref_squeeze %dma_start3A_57 : memref<1x80x64xf32, #tpu.memory_space<vmem>> -> memref<80x64xf32, #tpu.memory_space<vmem>>
    %dma_start3A_59 = arith.constant 240 : i32
    %dma_start3A_60 = tpu.memref_slice %arg6[%dma_start3A_59] : memref<20000xi32, #tpu.memory_space<vmem>> -> memref<80xi32, #tpu.memory_space<vmem>>
    %dma_start3A_61 = arith.constant 0 : i32
    %dma_start3A_62 = arith.constant 0 : i32
    %dma_start3A_63 = tpu.memref_slice %arg2[%dma_start3A_61, %dma_start3A_62] : memref<20000x64xf32, #tpu.memory_space<hbm>> -> memref<20000x64xf32, #tpu.memory_space<hbm>>
    %dma_start3A_64 = tpu.memref_slice %arg10[%dma_start3A_54] : memref<5x!tpu.dma_semaphore, #tpu.memory_space<semaphore_mem>> -> memref<1x!tpu.dma_semaphore, #tpu.memory_space<semaphore_mem>>
    %dma_start3A_65 = tpu.memref_squeeze %dma_start3A_64 : memref<1x!tpu.dma_semaphore, #tpu.memory_space<semaphore_mem>> -> memref<!tpu.dma_semaphore, #tpu.memory_space<semaphore_mem>>
    tpu.enqueue_indirect_dma source(%dma_start3A_63 : memref<20000x64xf32, #tpu.memory_space<hbm>>) target(%dma_start3A_58 : memref<80x64xf32, #tpu.memory_space<vmem>>) offsets(%dma_start3A_60 : memref<80xi32, #tpu.memory_space<vmem>>) semaphore(%dma_start3A_65 : memref<!tpu.dma_semaphore, #tpu.memory_space<semaphore_mem>>)
    %dma_start3A_66 = arith.constant 4 : i32
    %dma_start3A_67 = arith.constant 4 : i32
    %dma_start3A_68 = arith.constant 0 : i32
    %dma_start3A_69 = arith.constant 0 : i32
    %dma_start3A_70 = tpu.memref_slice %arg8[%dma_start3A_66, %dma_start3A_68, %dma_start3A_69] : memref<5x80x64xf32, #tpu.memory_space<vmem>> -> memref<1x80x64xf32, #tpu.memory_space<vmem>>
    %dma_start3A_71 = tpu.memref_squeeze %dma_start3A_70 : memref<1x80x64xf32, #tpu.memory_space<vmem>> -> memref<80x64xf32, #tpu.memory_space<vmem>>
    %dma_start3A_72 = arith.constant 320 : i32
    %dma_start3A_73 = tpu.memref_slice %arg6[%dma_start3A_72] : memref<20000xi32, #tpu.memory_space<vmem>> -> memref<80xi32, #tpu.memory_space<vmem>>
    %dma_start3A_74 = arith.constant 0 : i32
    %dma_start3A_75 = arith.constant 0 : i32
    %dma_start3A_76 = tpu.memref_slice %arg2[%dma_start3A_74, %dma_start3A_75] : memref<20000x64xf32, #tpu.memory_space<hbm>> -> memref<20000x64xf32, #tpu.memory_space<hbm>>
    %dma_start3A_77 = tpu.memref_slice %arg10[%dma_start3A_67] : memref<5x!tpu.dma_semaphore, #tpu.memory_space<semaphore_mem>> -> memref<1x!tpu.dma_semaphore, #tpu.memory_space<semaphore_mem>>
    %dma_start3A_78 = tpu.memref_squeeze %dma_start3A_77 : memref<1x!tpu.dma_semaphore, #tpu.memory_space<semaphore_mem>> -> memref<!tpu.dma_semaphore, #tpu.memory_space<semaphore_mem>>
    tpu.enqueue_indirect_dma source(%dma_start3A_76 : memref<20000x64xf32, #tpu.memory_space<hbm>>) target(%dma_start3A_71 : memref<80x64xf32, #tpu.memory_space<vmem>>) offsets(%dma_start3A_73 : memref<80xi32, #tpu.memory_space<vmem>>) semaphore(%dma_start3A_78 : memref<!tpu.dma_semaphore, #tpu.memory_space<semaphore_mem>>)
    %scan3A_79 = arith.constant 0 : i32
    %scan3A_80 = arith.constant 49 : i32
    %scan3A_81 = arith.addi %scan3A_79, %scan3A_80 : i32
    %scan3A_82 = arith.constant 1 : i32
    scf.for %scan3A_299 = %scan3A_79 to %scan3A_81 step %scan3A_82  : i32 {
      %mul3A_300 = arith.constant 5 : i32
      %mul3A_301 = arith.muli %scan3A_299, %mul3A_300 : i32
      %add3A = arith.constant 0 : i32
      %add3A_302 = arith.addi %add3A, %mul3A_301 : i32
      %dma_wait3A_303 = arith.constant 0 : i32
      %dma_wait3A_304 = arith.constant 0 : i32
      %dma_wait3A_305 = arith.constant 0 : i32
      %dma_wait3A_306 = arith.constant 0 : i32
      %dma_wait3A_307 = tpu.memref_slice %arg8[%dma_wait3A_303, %dma_wait3A_305, %dma_wait3A_306] : memref<5x80x64xf32, #tpu.memory_space<vmem>> -> memref<1x80x64xf32, #tpu.memory_space<vmem>>
      %dma_wait3A_308 = tpu.memref_squeeze %dma_wait3A_307 : memref<1x80x64xf32, #tpu.memory_space<vmem>> -> memref<80x64xf32, #tpu.memory_space<vmem>>
      %dma_wait3A_309 = arith.constant 0 : i32
      %dma_wait3A_310 = tpu.memref_slice %arg6[%dma_wait3A_309] : memref<20000xi32, #tpu.memory_space<vmem>> -> memref<80xi32, #tpu.memory_space<vmem>>
      %dma_wait3A_311 = arith.constant 0 : i32
      %dma_wait3A_312 = arith.constant 0 : i32
      %dma_wait3A_313 = tpu.memref_slice %arg2[%dma_wait3A_311, %dma_wait3A_312] : memref<20000x64xf32, #tpu.memory_space<hbm>> -> memref<20000x64xf32, #tpu.memory_space<hbm>>
      %dma_wait3A_314 = tpu.memref_slice %arg10[%dma_wait3A_304] : memref<5x!tpu.dma_semaphore, #tpu.memory_space<semaphore_mem>> -> memref<1x!tpu.dma_semaphore, #tpu.memory_space<semaphore_mem>>
      %dma_wait3A_315 = tpu.memref_squeeze %dma_wait3A_314 : memref<1x!tpu.dma_semaphore, #tpu.memory_space<semaphore_mem>> -> memref<!tpu.dma_semaphore, #tpu.memory_space<semaphore_mem>>
      tpu.wait_indirect_dma semaphore(%dma_wait3A_315 : memref<!tpu.dma_semaphore, #tpu.memory_space<semaphore_mem>>) src(%dma_wait3A_313 : memref<20000x64xf32, #tpu.memory_space<hbm>>) dst(%dma_wait3A_308 : memref<80x64xf32, #tpu.memory_space<vmem>>)
      %add3A_316 = arith.constant 0 : i32
      %add3A_317 = arith.addi %add3A_302, %add3A_316 : i32
      %dma_start3A_318 = arith.constant 0 : i32
      %dma_start3A_319 = arith.constant 0 : i32
      %dma_start3A_320 = arith.constant 0 : i32
      %dma_start3A_321 = arith.constant 0 : i32
      %dma_start3A_322 = tpu.memref_slice %arg8[%dma_start3A_318, %dma_start3A_320, %dma_start3A_321] : memref<5x80x64xf32, #tpu.memory_space<vmem>> -> memref<1x80x64xf32, #tpu.memory_space<vmem>>
      %dma_start3A_323 = tpu.memref_squeeze %dma_start3A_322 : memref<1x80x64xf32, #tpu.memory_space<vmem>> -> memref<80x64xf32, #tpu.memory_space<vmem>>
      %dma_start3A_324 = arith.constant 0 : i32
      %dma_start3A_325 = tpu.memref_slice %arg7[%add3A_317, %dma_start3A_324] : memref<250x80xi32, #tpu.memory_space<vmem>> -> memref<1x80xi32, #tpu.memory_space<vmem>>
      %dma_start3A_326 = tpu.memref_squeeze %dma_start3A_325 : memref<1x80xi32, #tpu.memory_space<vmem>> -> memref<80xi32, #tpu.memory_space<vmem>>
      %dma_start3A_327 = arith.constant 0 : i32
      %dma_start3A_328 = arith.constant 0 : i32
      %dma_start3A_329 = tpu.memref_slice %arg9[%dma_start3A_327, %dma_start3A_328] : memref<10240x64xf32, #tpu.memory_space<vmem_shared>> -> memref<10240x64xf32, #tpu.memory_space<vmem_shared>>
      %dma_start3A_330 = tpu.memref_slice %arg11[%dma_start3A_319] : memref<5x!tpu.dma_semaphore, #tpu.memory_space<semaphore_mem>> -> memref<1x!tpu.dma_semaphore, #tpu.memory_space<semaphore_mem>>
      %dma_start3A_331 = tpu.memref_squeeze %dma_start3A_330 : memref<1x!tpu.dma_semaphore, #tpu.memory_space<semaphore_mem>> -> memref<!tpu.dma_semaphore, #tpu.memory_space<semaphore_mem>>
      tpu.enqueue_indirect_dma source(%dma_start3A_323 : memref<80x64xf32, #tpu.memory_space<vmem>>) target(%dma_start3A_329 : memref<10240x64xf32, #tpu.memory_space<vmem_shared>>) offsets(%dma_start3A_326 : memref<80xi32, #tpu.memory_space<vmem>>) semaphore(%dma_start3A_331 : memref<!tpu.dma_semaphore, #tpu.memory_space<semaphore_mem>>) {add = true}
      %dma_wait3A_332 = arith.constant 1 : i32
      %dma_wait3A_333 = arith.constant 1 : i32
      %dma_wait3A_334 = arith.constant 0 : i32
      %dma_wait3A_335 = arith.constant 0 : i32
      %dma_wait3A_336 = tpu.memref_slice %arg8[%dma_wait3A_332, %dma_wait3A_334, %dma_wait3A_335] : memref<5x80x64xf32, #tpu.memory_space<vmem>> -> memref<1x80x64xf32, #tpu.memory_space<vmem>>
      %dma_wait3A_337 = tpu.memref_squeeze %dma_wait3A_336 : memref<1x80x64xf32, #tpu.memory_space<vmem>> -> memref<80x64xf32, #tpu.memory_space<vmem>>
      %dma_wait3A_338 = arith.constant 0 : i32
      %dma_wait3A_339 = tpu.memref_slice %arg6[%dma_wait3A_338] : memref<20000xi32, #tpu.memory_space<vmem>> -> memref<80xi32, #tpu.memory_space<vmem>>
      %dma_wait3A_340 = arith.constant 0 : i32
      %dma_wait3A_341 = arith.constant 0 : i32
      %dma_wait3A_342 = tpu.memref_slice %arg2[%dma_wait3A_340, %dma_wait3A_341] : memref<20000x64xf32, #tpu.memory_space<hbm>> -> memref<20000x64xf32, #tpu.memory_space<hbm>>
      %dma_wait3A_343 = tpu.memref_slice %arg10[%dma_wait3A_333] : memref<5x!tpu.dma_semaphore, #tpu.memory_space<semaphore_mem>> -> memref<1x!tpu.dma_semaphore, #tpu.memory_space<semaphore_mem>>
      %dma_wait3A_344 = tpu.memref_squeeze %dma_wait3A_343 : memref<1x!tpu.dma_semaphore, #tpu.memory_space<semaphore_mem>> -> memref<!tpu.dma_semaphore, #tpu.memory_space<semaphore_mem>>
      tpu.wait_indirect_dma semaphore(%dma_wait3A_344 : memref<!tpu.dma_semaphore, #tpu.memory_space<semaphore_mem>>) src(%dma_wait3A_342 : memref<20000x64xf32, #tpu.memory_space<hbm>>) dst(%dma_wait3A_337 : memref<80x64xf32, #tpu.memory_space<vmem>>)
      %add3A_345 = arith.constant 1 : i32
      %add3A_346 = arith.addi %add3A_302, %add3A_345 : i32
      %dma_start3A_347 = arith.constant 1 : i32
      %dma_start3A_348 = arith.constant 1 : i32
      %dma_start3A_349 = arith.constant 0 : i32
      %dma_start3A_350 = arith.constant 0 : i32
      %dma_start3A_351 = tpu.memref_slice %arg8[%dma_start3A_347, %dma_start3A_349, %dma_start3A_350] : memref<5x80x64xf32, #tpu.memory_space<vmem>> -> memref<1x80x64xf32, #tpu.memory_space<vmem>>
      %dma_start3A_352 = tpu.memref_squeeze %dma_start3A_351 : memref<1x80x64xf32, #tpu.memory_space<vmem>> -> memref<80x64xf32, #tpu.memory_space<vmem>>
      %dma_start3A_353 = arith.constant 0 : i32
      %dma_start3A_354 = tpu.memref_slice %arg7[%add3A_346, %dma_start3A_353] : memref<250x80xi32, #tpu.memory_space<vmem>> -> memref<1x80xi32, #tpu.memory_space<vmem>>
      %dma_start3A_355 = tpu.memref_squeeze %dma_start3A_354 : memref<1x80xi32, #tpu.memory_space<vmem>> -> memref<80xi32, #tpu.memory_space<vmem>>
      %dma_start3A_356 = arith.constant 0 : i32
      %dma_start3A_357 = arith.constant 0 : i32
      %dma_start3A_358 = tpu.memref_slice %arg9[%dma_start3A_356, %dma_start3A_357] : memref<10240x64xf32, #tpu.memory_space<vmem_shared>> -> memref<10240x64xf32, #tpu.memory_space<vmem_shared>>
      %dma_start3A_359 = tpu.memref_slice %arg11[%dma_start3A_348] : memref<5x!tpu.dma_semaphore, #tpu.memory_space<semaphore_mem>> -> memref<1x!tpu.dma_semaphore, #tpu.memory_space<semaphore_mem>>
      %dma_start3A_360 = tpu.memref_squeeze %dma_start3A_359 : memref<1x!tpu.dma_semaphore, #tpu.memory_space<semaphore_mem>> -> memref<!tpu.dma_semaphore, #tpu.memory_space<semaphore_mem>>
      tpu.enqueue_indirect_dma source(%dma_start3A_352 : memref<80x64xf32, #tpu.memory_space<vmem>>) target(%dma_start3A_358 : memref<10240x64xf32, #tpu.memory_space<vmem_shared>>) offsets(%dma_start3A_355 : memref<80xi32, #tpu.memory_space<vmem>>) semaphore(%dma_start3A_360 : memref<!tpu.dma_semaphore, #tpu.memory_space<semaphore_mem>>) {add = true}
      %dma_wait3A_361 = arith.constant 2 : i32
      %dma_wait3A_362 = arith.constant 2 : i32
      %dma_wait3A_363 = arith.constant 0 : i32
      %dma_wait3A_364 = arith.constant 0 : i32
      %dma_wait3A_365 = tpu.memref_slice %arg8[%dma_wait3A_361, %dma_wait3A_363, %dma_wait3A_364] : memref<5x80x64xf32, #tpu.memory_space<vmem>> -> memref<1x80x64xf32, #tpu.memory_space<vmem>>
      %dma_wait3A_366 = tpu.memref_squeeze %dma_wait3A_365 : memref<1x80x64xf32, #tpu.memory_space<vmem>> -> memref<80x64xf32, #tpu.memory_space<vmem>>
      %dma_wait3A_367 = arith.constant 0 : i32
      %dma_wait3A_368 = tpu.memref_slice %arg6[%dma_wait3A_367] : memref<20000xi32, #tpu.memory_space<vmem>> -> memref<80xi32, #tpu.memory_space<vmem>>
      %dma_wait3A_369 = arith.constant 0 : i32
      %dma_wait3A_370 = arith.constant 0 : i32
      %dma_wait3A_371 = tpu.memref_slice %arg2[%dma_wait3A_369, %dma_wait3A_370] : memref<20000x64xf32, #tpu.memory_space<hbm>> -> memref<20000x64xf32, #tpu.memory_space<hbm>>
      %dma_wait3A_372 = tpu.memref_slice %arg10[%dma_wait3A_362] : memref<5x!tpu.dma_semaphore, #tpu.memory_space<semaphore_mem>> -> memref<1x!tpu.dma_semaphore, #tpu.memory_space<semaphore_mem>>
      %dma_wait3A_373 = tpu.memref_squeeze %dma_wait3A_372 : memref<1x!tpu.dma_semaphore, #tpu.memory_space<semaphore_mem>> -> memref<!tpu.dma_semaphore, #tpu.memory_space<semaphore_mem>>
      tpu.wait_indirect_dma semaphore(%dma_wait3A_373 : memref<!tpu.dma_semaphore, #tpu.memory_space<semaphore_mem>>) src(%dma_wait3A_371 : memref<20000x64xf32, #tpu.memory_space<hbm>>) dst(%dma_wait3A_366 : memref<80x64xf32, #tpu.memory_space<vmem>>)
      %add3A_374 = arith.constant 2 : i32
      %add3A_375 = arith.addi %add3A_302, %add3A_374 : i32
      %dma_start3A_376 = arith.constant 2 : i32
      %dma_start3A_377 = arith.constant 2 : i32
      %dma_start3A_378 = arith.constant 0 : i32
      %dma_start3A_379 = arith.constant 0 : i32
      %dma_start3A_380 = tpu.memref_slice %arg8[%dma_start3A_376, %dma_start3A_378, %dma_start3A_379] : memref<5x80x64xf32, #tpu.memory_space<vmem>> -> memref<1x80x64xf32, #tpu.memory_space<vmem>>
      %dma_start3A_381 = tpu.memref_squeeze %dma_start3A_380 : memref<1x80x64xf32, #tpu.memory_space<vmem>> -> memref<80x64xf32, #tpu.memory_space<vmem>>
      %dma_start3A_382 = arith.constant 0 : i32
      %dma_start3A_383 = tpu.memref_slice %arg7[%add3A_375, %dma_start3A_382] : memref<250x80xi32, #tpu.memory_space<vmem>> -> memref<1x80xi32, #tpu.memory_space<vmem>>
      %dma_start3A_384 = tpu.memref_squeeze %dma_start3A_383 : memref<1x80xi32, #tpu.memory_space<vmem>> -> memref<80xi32, #tpu.memory_space<vmem>>
      %dma_start3A_385 = arith.constant 0 : i32
      %dma_start3A_386 = arith.constant 0 : i32
      %dma_start3A_387 = tpu.memref_slice %arg9[%dma_start3A_385, %dma_start3A_386] : memref<10240x64xf32, #tpu.memory_space<vmem_shared>> -> memref<10240x64xf32, #tpu.memory_space<vmem_shared>>
      %dma_start3A_388 = tpu.memref_slice %arg11[%dma_start3A_377] : memref<5x!tpu.dma_semaphore, #tpu.memory_space<semaphore_mem>> -> memref<1x!tpu.dma_semaphore, #tpu.memory_space<semaphore_mem>>
      %dma_start3A_389 = tpu.memref_squeeze %dma_start3A_388 : memref<1x!tpu.dma_semaphore, #tpu.memory_space<semaphore_mem>> -> memref<!tpu.dma_semaphore, #tpu.memory_space<semaphore_mem>>
      tpu.enqueue_indirect_dma source(%dma_start3A_381 : memref<80x64xf32, #tpu.memory_space<vmem>>) target(%dma_start3A_387 : memref<10240x64xf32, #tpu.memory_space<vmem_shared>>) offsets(%dma_start3A_384 : memref<80xi32, #tpu.memory_space<vmem>>) semaphore(%dma_start3A_389 : memref<!tpu.dma_semaphore, #tpu.memory_space<semaphore_mem>>) {add = true}
      %dma_wait3A_390 = arith.constant 3 : i32
      %dma_wait3A_391 = arith.constant 3 : i32
      %dma_wait3A_392 = arith.constant 0 : i32
      %dma_wait3A_393 = arith.constant 0 : i32
      %dma_wait3A_394 = tpu.memref_slice %arg8[%dma_wait3A_390, %dma_wait3A_392, %dma_wait3A_393] : memref<5x80x64xf32, #tpu.memory_space<vmem>> -> memref<1x80x64xf32, #tpu.memory_space<vmem>>
      %dma_wait3A_395 = tpu.memref_squeeze %dma_wait3A_394 : memref<1x80x64xf32, #tpu.memory_space<vmem>> -> memref<80x64xf32, #tpu.memory_space<vmem>>
      %dma_wait3A_396 = arith.constant 0 : i32
      %dma_wait3A_397 = tpu.memref_slice %arg6[%dma_wait3A_396] : memref<20000xi32, #tpu.memory_space<vmem>> -> memref<80xi32, #tpu.memory_space<vmem>>
      %dma_wait3A_398 = arith.constant 0 : i32
      %dma_wait3A_399 = arith.constant 0 : i32
      %dma_wait3A_400 = tpu.memref_slice %arg2[%dma_wait3A_398, %dma_wait3A_399] : memref<20000x64xf32, #tpu.memory_space<hbm>> -> memref<20000x64xf32, #tpu.memory_space<hbm>>
      %dma_wait3A_401 = tpu.memref_slice %arg10[%dma_wait3A_391] : memref<5x!tpu.dma_semaphore, #tpu.memory_space<semaphore_mem>> -> memref<1x!tpu.dma_semaphore, #tpu.memory_space<semaphore_mem>>
      %dma_wait3A_402 = tpu.memref_squeeze %dma_wait3A_401 : memref<1x!tpu.dma_semaphore, #tpu.memory_space<semaphore_mem>> -> memref<!tpu.dma_semaphore, #tpu.memory_space<semaphore_mem>>
      tpu.wait_indirect_dma semaphore(%dma_wait3A_402 : memref<!tpu.dma_semaphore, #tpu.memory_space<semaphore_mem>>) src(%dma_wait3A_400 : memref<20000x64xf32, #tpu.memory_space<hbm>>) dst(%dma_wait3A_395 : memref<80x64xf32, #tpu.memory_space<vmem>>)
      %add3A_403 = arith.constant 3 : i32
      %add3A_404 = arith.addi %add3A_302, %add3A_403 : i32
      %dma_start3A_405 = arith.constant 3 : i32
      %dma_start3A_406 = arith.constant 3 : i32
      %dma_start3A_407 = arith.constant 0 : i32
      %dma_start3A_408 = arith.constant 0 : i32
      %dma_start3A_409 = tpu.memref_slice %arg8[%dma_start3A_405, %dma_start3A_407, %dma_start3A_408] : memref<5x80x64xf32, #tpu.memory_space<vmem>> -> memref<1x80x64xf32, #tpu.memory_space<vmem>>
      %dma_start3A_410 = tpu.memref_squeeze %dma_start3A_409 : memref<1x80x64xf32, #tpu.memory_space<vmem>> -> memref<80x64xf32, #tpu.memory_space<vmem>>
      %dma_start3A_411 = arith.constant 0 : i32
      %dma_start3A_412 = tpu.memref_slice %arg7[%add3A_404, %dma_start3A_411] : memref<250x80xi32, #tpu.memory_space<vmem>> -> memref<1x80xi32, #tpu.memory_space<vmem>>
      %dma_start3A_413 = tpu.memref_squeeze %dma_start3A_412 : memref<1x80xi32, #tpu.memory_space<vmem>> -> memref<80xi32, #tpu.memory_space<vmem>>
      %dma_start3A_414 = arith.constant 0 : i32
      %dma_start3A_415 = arith.constant 0 : i32
      %dma_start3A_416 = tpu.memref_slice %arg9[%dma_start3A_414, %dma_start3A_415] : memref<10240x64xf32, #tpu.memory_space<vmem_shared>> -> memref<10240x64xf32, #tpu.memory_space<vmem_shared>>
      %dma_start3A_417 = tpu.memref_slice %arg11[%dma_start3A_406] : memref<5x!tpu.dma_semaphore, #tpu.memory_space<semaphore_mem>> -> memref<1x!tpu.dma_semaphore, #tpu.memory_space<semaphore_mem>>
      %dma_start3A_418 = tpu.memref_squeeze %dma_start3A_417 : memref<1x!tpu.dma_semaphore, #tpu.memory_space<semaphore_mem>> -> memref<!tpu.dma_semaphore, #tpu.memory_space<semaphore_mem>>
      tpu.enqueue_indirect_dma source(%dma_start3A_410 : memref<80x64xf32, #tpu.memory_space<vmem>>) target(%dma_start3A_416 : memref<10240x64xf32, #tpu.memory_space<vmem_shared>>) offsets(%dma_start3A_413 : memref<80xi32, #tpu.memory_space<vmem>>) semaphore(%dma_start3A_418 : memref<!tpu.dma_semaphore, #tpu.memory_space<semaphore_mem>>) {add = true}
      %dma_wait3A_419 = arith.constant 4 : i32
      %dma_wait3A_420 = arith.constant 4 : i32
      %dma_wait3A_421 = arith.constant 0 : i32
      %dma_wait3A_422 = arith.constant 0 : i32
      %dma_wait3A_423 = tpu.memref_slice %arg8[%dma_wait3A_419, %dma_wait3A_421, %dma_wait3A_422] : memref<5x80x64xf32, #tpu.memory_space<vmem>> -> memref<1x80x64xf32, #tpu.memory_space<vmem>>
      %dma_wait3A_424 = tpu.memref_squeeze %dma_wait3A_423 : memref<1x80x64xf32, #tpu.memory_space<vmem>> -> memref<80x64xf32, #tpu.memory_space<vmem>>
      %dma_wait3A_425 = arith.constant 0 : i32
      %dma_wait3A_426 = tpu.memref_slice %arg6[%dma_wait3A_425] : memref<20000xi32, #tpu.memory_space<vmem>> -> memref<80xi32, #tpu.memory_space<vmem>>
      %dma_wait3A_427 = arith.constant 0 : i32
      %dma_wait3A_428 = arith.constant 0 : i32
      %dma_wait3A_429 = tpu.memref_slice %arg2[%dma_wait3A_427, %dma_wait3A_428] : memref<20000x64xf32, #tpu.memory_space<hbm>> -> memref<20000x64xf32, #tpu.memory_space<hbm>>
      %dma_wait3A_430 = tpu.memref_slice %arg10[%dma_wait3A_420] : memref<5x!tpu.dma_semaphore, #tpu.memory_space<semaphore_mem>> -> memref<1x!tpu.dma_semaphore, #tpu.memory_space<semaphore_mem>>
      %dma_wait3A_431 = tpu.memref_squeeze %dma_wait3A_430 : memref<1x!tpu.dma_semaphore, #tpu.memory_space<semaphore_mem>> -> memref<!tpu.dma_semaphore, #tpu.memory_space<semaphore_mem>>
      tpu.wait_indirect_dma semaphore(%dma_wait3A_431 : memref<!tpu.dma_semaphore, #tpu.memory_space<semaphore_mem>>) src(%dma_wait3A_429 : memref<20000x64xf32, #tpu.memory_space<hbm>>) dst(%dma_wait3A_424 : memref<80x64xf32, #tpu.memory_space<vmem>>)
      %add3A_432 = arith.constant 4 : i32
      %add3A_433 = arith.addi %add3A_302, %add3A_432 : i32
      %dma_start3A_434 = arith.constant 4 : i32
      %dma_start3A_435 = arith.constant 4 : i32
      %dma_start3A_436 = arith.constant 0 : i32
      %dma_start3A_437 = arith.constant 0 : i32
      %dma_start3A_438 = tpu.memref_slice %arg8[%dma_start3A_434, %dma_start3A_436, %dma_start3A_437] : memref<5x80x64xf32, #tpu.memory_space<vmem>> -> memref<1x80x64xf32, #tpu.memory_space<vmem>>
      %dma_start3A_439 = tpu.memref_squeeze %dma_start3A_438 : memref<1x80x64xf32, #tpu.memory_space<vmem>> -> memref<80x64xf32, #tpu.memory_space<vmem>>
      %dma_start3A_440 = arith.constant 0 : i32
      %dma_start3A_441 = tpu.memref_slice %arg7[%add3A_433, %dma_start3A_440] : memref<250x80xi32, #tpu.memory_space<vmem>> -> memref<1x80xi32, #tpu.memory_space<vmem>>
      %dma_start3A_442 = tpu.memref_squeeze %dma_start3A_441 : memref<1x80xi32, #tpu.memory_space<vmem>> -> memref<80xi32, #tpu.memory_space<vmem>>
      %dma_start3A_443 = arith.constant 0 : i32
      %dma_start3A_444 = arith.constant 0 : i32
      %dma_start3A_445 = tpu.memref_slice %arg9[%dma_start3A_443, %dma_start3A_444] : memref<10240x64xf32, #tpu.memory_space<vmem_shared>> -> memref<10240x64xf32, #tpu.memory_space<vmem_shared>>
      %dma_start3A_446 = tpu.memref_slice %arg11[%dma_start3A_435] : memref<5x!tpu.dma_semaphore, #tpu.memory_space<semaphore_mem>> -> memref<1x!tpu.dma_semaphore, #tpu.memory_space<semaphore_mem>>
      %dma_start3A_447 = tpu.memref_squeeze %dma_start3A_446 : memref<1x!tpu.dma_semaphore, #tpu.memory_space<semaphore_mem>> -> memref<!tpu.dma_semaphore, #tpu.memory_space<semaphore_mem>>
      tpu.enqueue_indirect_dma source(%dma_start3A_439 : memref<80x64xf32, #tpu.memory_space<vmem>>) target(%dma_start3A_445 : memref<10240x64xf32, #tpu.memory_space<vmem_shared>>) offsets(%dma_start3A_442 : memref<80xi32, #tpu.memory_space<vmem>>) semaphore(%dma_start3A_447 : memref<!tpu.dma_semaphore, #tpu.memory_space<semaphore_mem>>) {add = true}
      %dma_wait3A_448 = arith.constant 0 : i32
      %dma_wait3A_449 = arith.constant 0 : i32
      %dma_wait3A_450 = arith.constant 0 : i32
      %dma_wait3A_451 = arith.constant 0 : i32
      %dma_wait3A_452 = arith.constant 0 : i32
      %dma_wait3A_453 = tpu.memref_slice %arg8[%dma_wait3A_448, %dma_wait3A_451, %dma_wait3A_452] : memref<5x80x64xf32, #tpu.memory_space<vmem>> -> memref<1x80x64xf32, #tpu.memory_space<vmem>>
      %dma_wait3A_454 = tpu.memref_squeeze %dma_wait3A_453 : memref<1x80x64xf32, #tpu.memory_space<vmem>> -> memref<80x64xf32, #tpu.memory_space<vmem>>
      %dma_wait3A_455 = arith.constant 0 : i32
      %dma_wait3A_456 = tpu.memref_slice %arg7[%dma_wait3A_449, %dma_wait3A_455] : memref<250x80xi32, #tpu.memory_space<vmem>> -> memref<1x80xi32, #tpu.memory_space<vmem>>
      %dma_wait3A_457 = tpu.memref_squeeze %dma_wait3A_456 : memref<1x80xi32, #tpu.memory_space<vmem>> -> memref<80xi32, #tpu.memory_space<vmem>>
      %dma_wait3A_458 = arith.constant 0 : i32
      %dma_wait3A_459 = arith.constant 0 : i32
      %dma_wait3A_460 = tpu.memref_slice %arg9[%dma_wait3A_458, %dma_wait3A_459] : memref<10240x64xf32, #tpu.memory_space<vmem_shared>> -> memref<10240x64xf32, #tpu.memory_space<vmem_shared>>
      %dma_wait3A_461 = tpu.memref_slice %arg11[%dma_wait3A_450] : memref<5x!tpu.dma_semaphore, #tpu.memory_space<semaphore_mem>> -> memref<1x!tpu.dma_semaphore, #tpu.memory_space<semaphore_mem>>
      %dma_wait3A_462 = tpu.memref_squeeze %dma_wait3A_461 : memref<1x!tpu.dma_semaphore, #tpu.memory_space<semaphore_mem>> -> memref<!tpu.dma_semaphore, #tpu.memory_space<semaphore_mem>>
      tpu.wait_indirect_dma semaphore(%dma_wait3A_462 : memref<!tpu.dma_semaphore, #tpu.memory_space<semaphore_mem>>) src(%dma_wait3A_454 : memref<80x64xf32, #tpu.memory_space<vmem>>) dst(%dma_wait3A_460 : memref<10240x64xf32, #tpu.memory_space<vmem_shared>>)
      %add3A_463 = arith.constant 5 : i32
      %add3A_464 = arith.addi %add3A_302, %add3A_463 : i32
      %add3A_465 = arith.constant 0 : i32
      %add3A_466 = arith.addi %add3A_464, %add3A_465 : i32
      %mul3A_467 = arith.constant 80 : i32
      %mul3A_468 = arith.muli %add3A_466, %mul3A_467 : i32
      %dma_start3A_469 = arith.constant 0 : i32
      %dma_start3A_470 = arith.constant 0 : i32
      %dma_start3A_471 = arith.constant 0 : i32
      %dma_start3A_472 = arith.constant 0 : i32
      %dma_start3A_473 = tpu.memref_slice %arg8[%dma_start3A_469, %dma_start3A_471, %dma_start3A_472] : memref<5x80x64xf32, #tpu.memory_space<vmem>> -> memref<1x80x64xf32, #tpu.memory_space<vmem>>
      %dma_start3A_474 = tpu.memref_squeeze %dma_start3A_473 : memref<1x80x64xf32, #tpu.memory_space<vmem>> -> memref<80x64xf32, #tpu.memory_space<vmem>>
      %dma_start3A_475 = tpu.memref_slice %arg6[%mul3A_468] : memref<20000xi32, #tpu.memory_space<vmem>> -> memref<80xi32, #tpu.memory_space<vmem>>
      %dma_start3A_476 = arith.constant 0 : i32
      %dma_start3A_477 = arith.constant 0 : i32
      %dma_start3A_478 = tpu.memref_slice %arg2[%dma_start3A_476, %dma_start3A_477] : memref<20000x64xf32, #tpu.memory_space<hbm>> -> memref<20000x64xf32, #tpu.memory_space<hbm>>
      %dma_start3A_479 = tpu.memref_slice %arg10[%dma_start3A_470] : memref<5x!tpu.dma_semaphore, #tpu.memory_space<semaphore_mem>> -> memref<1x!tpu.dma_semaphore, #tpu.memory_space<semaphore_mem>>
      %dma_start3A_480 = tpu.memref_squeeze %dma_start3A_479 : memref<1x!tpu.dma_semaphore, #tpu.memory_space<semaphore_mem>> -> memref<!tpu.dma_semaphore, #tpu.memory_space<semaphore_mem>>
      tpu.enqueue_indirect_dma source(%dma_start3A_478 : memref<20000x64xf32, #tpu.memory_space<hbm>>) target(%dma_start3A_474 : memref<80x64xf32, #tpu.memory_space<vmem>>) offsets(%dma_start3A_475 : memref<80xi32, #tpu.memory_space<vmem>>) semaphore(%dma_start3A_480 : memref<!tpu.dma_semaphore, #tpu.memory_space<semaphore_mem>>)
      %dma_wait3A_481 = arith.constant 1 : i32
      %dma_wait3A_482 = arith.constant 0 : i32
      %dma_wait3A_483 = arith.constant 1 : i32
      %dma_wait3A_484 = arith.constant 0 : i32
      %dma_wait3A_485 = arith.constant 0 : i32
      %dma_wait3A_486 = tpu.memref_slice %arg8[%dma_wait3A_481, %dma_wait3A_484, %dma_wait3A_485] : memref<5x80x64xf32, #tpu.memory_space<vmem>> -> memref<1x80x64xf32, #tpu.memory_space<vmem>>
      %dma_wait3A_487 = tpu.memref_squeeze %dma_wait3A_486 : memref<1x80x64xf32, #tpu.memory_space<vmem>> -> memref<80x64xf32, #tpu.memory_space<vmem>>
      %dma_wait3A_488 = arith.constant 0 : i32
      %dma_wait3A_489 = tpu.memref_slice %arg7[%dma_wait3A_482, %dma_wait3A_488] : memref<250x80xi32, #tpu.memory_space<vmem>> -> memref<1x80xi32, #tpu.memory_space<vmem>>
      %dma_wait3A_490 = tpu.memref_squeeze %dma_wait3A_489 : memref<1x80xi32, #tpu.memory_space<vmem>> -> memref<80xi32, #tpu.memory_space<vmem>>
      %dma_wait3A_491 = arith.constant 0 : i32
      %dma_wait3A_492 = arith.constant 0 : i32
      %dma_wait3A_493 = tpu.memref_slice %arg9[%dma_wait3A_491, %dma_wait3A_492] : memref<10240x64xf32, #tpu.memory_space<vmem_shared>> -> memref<10240x64xf32, #tpu.memory_space<vmem_shared>>
      %dma_wait3A_494 = tpu.memref_slice %arg11[%dma_wait3A_483] : memref<5x!tpu.dma_semaphore, #tpu.memory_space<semaphore_mem>> -> memref<1x!tpu.dma_semaphore, #tpu.memory_space<semaphore_mem>>
      %dma_wait3A_495 = tpu.memref_squeeze %dma_wait3A_494 : memref<1x!tpu.dma_semaphore, #tpu.memory_space<semaphore_mem>> -> memref<!tpu.dma_semaphore, #tpu.memory_space<semaphore_mem>>
      tpu.wait_indirect_dma semaphore(%dma_wait3A_495 : memref<!tpu.dma_semaphore, #tpu.memory_space<semaphore_mem>>) src(%dma_wait3A_487 : memref<80x64xf32, #tpu.memory_space<vmem>>) dst(%dma_wait3A_493 : memref<10240x64xf32, #tpu.memory_space<vmem_shared>>)
      %add3A_496 = arith.constant 5 : i32
      %add3A_497 = arith.addi %add3A_302, %add3A_496 : i32
      %add3A_498 = arith.constant 1 : i32
      %add3A_499 = arith.addi %add3A_497, %add3A_498 : i32
      %mul3A_500 = arith.constant 80 : i32
      %mul3A_501 = arith.muli %add3A_499, %mul3A_500 : i32
      %dma_start3A_502 = arith.constant 1 : i32
      %dma_start3A_503 = arith.constant 1 : i32
      %dma_start3A_504 = arith.constant 0 : i32
      %dma_start3A_505 = arith.constant 0 : i32
      %dma_start3A_506 = tpu.memref_slice %arg8[%dma_start3A_502, %dma_start3A_504, %dma_start3A_505] : memref<5x80x64xf32, #tpu.memory_space<vmem>> -> memref<1x80x64xf32, #tpu.memory_space<vmem>>
      %dma_start3A_507 = tpu.memref_squeeze %dma_start3A_506 : memref<1x80x64xf32, #tpu.memory_space<vmem>> -> memref<80x64xf32, #tpu.memory_space<vmem>>
      %dma_start3A_508 = tpu.memref_slice %arg6[%mul3A_501] : memref<20000xi32, #tpu.memory_space<vmem>> -> memref<80xi32, #tpu.memory_space<vmem>>
      %dma_start3A_509 = arith.constant 0 : i32
      %dma_start3A_510 = arith.constant 0 : i32
      %dma_start3A_511 = tpu.memref_slice %arg2[%dma_start3A_509, %dma_start3A_510] : memref<20000x64xf32, #tpu.memory_space<hbm>> -> memref<20000x64xf32, #tpu.memory_space<hbm>>
      %dma_start3A_512 = tpu.memref_slice %arg10[%dma_start3A_503] : memref<5x!tpu.dma_semaphore, #tpu.memory_space<semaphore_mem>> -> memref<1x!tpu.dma_semaphore, #tpu.memory_space<semaphore_mem>>
      %dma_start3A_513 = tpu.memref_squeeze %dma_start3A_512 : memref<1x!tpu.dma_semaphore, #tpu.memory_space<semaphore_mem>> -> memref<!tpu.dma_semaphore, #tpu.memory_space<semaphore_mem>>
      tpu.enqueue_indirect_dma source(%dma_start3A_511 : memref<20000x64xf32, #tpu.memory_space<hbm>>) target(%dma_start3A_507 : memref<80x64xf32, #tpu.memory_space<vmem>>) offsets(%dma_start3A_508 : memref<80xi32, #tpu.memory_space<vmem>>) semaphore(%dma_start3A_513 : memref<!tpu.dma_semaphore, #tpu.memory_space<semaphore_mem>>)
      %dma_wait3A_514 = arith.constant 2 : i32
      %dma_wait3A_515 = arith.constant 0 : i32
      %dma_wait3A_516 = arith.constant 2 : i32
      %dma_wait3A_517 = arith.constant 0 : i32
      %dma_wait3A_518 = arith.constant 0 : i32
      %dma_wait3A_519 = tpu.memref_slice %arg8[%dma_wait3A_514, %dma_wait3A_517, %dma_wait3A_518] : memref<5x80x64xf32, #tpu.memory_space<vmem>> -> memref<1x80x64xf32, #tpu.memory_space<vmem>>
      %dma_wait3A_520 = tpu.memref_squeeze %dma_wait3A_519 : memref<1x80x64xf32, #tpu.memory_space<vmem>> -> memref<80x64xf32, #tpu.memory_space<vmem>>
      %dma_wait3A_521 = arith.constant 0 : i32
      %dma_wait3A_522 = tpu.memref_slice %arg7[%dma_wait3A_515, %dma_wait3A_521] : memref<250x80xi32, #tpu.memory_space<vmem>> -> memref<1x80xi32, #tpu.memory_space<vmem>>
      %dma_wait3A_523 = tpu.memref_squeeze %dma_wait3A_522 : memref<1x80xi32, #tpu.memory_space<vmem>> -> memref<80xi32, #tpu.memory_space<vmem>>
      %dma_wait3A_524 = arith.constant 0 : i32
      %dma_wait3A_525 = arith.constant 0 : i32
      %dma_wait3A_526 = tpu.memref_slice %arg9[%dma_wait3A_524, %dma_wait3A_525] : memref<10240x64xf32, #tpu.memory_space<vmem_shared>> -> memref<10240x64xf32, #tpu.memory_space<vmem_shared>>
      %dma_wait3A_527 = tpu.memref_slice %arg11[%dma_wait3A_516] : memref<5x!tpu.dma_semaphore, #tpu.memory_space<semaphore_mem>> -> memref<1x!tpu.dma_semaphore, #tpu.memory_space<semaphore_mem>>
      %dma_wait3A_528 = tpu.memref_squeeze %dma_wait3A_527 : memref<1x!tpu.dma_semaphore, #tpu.memory_space<semaphore_mem>> -> memref<!tpu.dma_semaphore, #tpu.memory_space<semaphore_mem>>
      tpu.wait_indirect_dma semaphore(%dma_wait3A_528 : memref<!tpu.dma_semaphore, #tpu.memory_space<semaphore_mem>>) src(%dma_wait3A_520 : memref<80x64xf32, #tpu.memory_space<vmem>>) dst(%dma_wait3A_526 : memref<10240x64xf32, #tpu.memory_space<vmem_shared>>)
      %add3A_529 = arith.constant 5 : i32
      %add3A_530 = arith.addi %add3A_302, %add3A_529 : i32
      %add3A_531 = arith.constant 2 : i32
      %add3A_532 = arith.addi %add3A_530, %add3A_531 : i32
      %mul3A_533 = arith.constant 80 : i32
      %mul3A_534 = arith.muli %add3A_532, %mul3A_533 : i32
      %dma_start3A_535 = arith.constant 2 : i32
      %dma_start3A_536 = arith.constant 2 : i32
      %dma_start3A_537 = arith.constant 0 : i32
      %dma_start3A_538 = arith.constant 0 : i32
      %dma_start3A_539 = tpu.memref_slice %arg8[%dma_start3A_535, %dma_start3A_537, %dma_start3A_538] : memref<5x80x64xf32, #tpu.memory_space<vmem>> -> memref<1x80x64xf32, #tpu.memory_space<vmem>>
      %dma_start3A_540 = tpu.memref_squeeze %dma_start3A_539 : memref<1x80x64xf32, #tpu.memory_space<vmem>> -> memref<80x64xf32, #tpu.memory_space<vmem>>
      %dma_start3A_541 = tpu.memref_slice %arg6[%mul3A_534] : memref<20000xi32, #tpu.memory_space<vmem>> -> memref<80xi32, #tpu.memory_space<vmem>>
      %dma_start3A_542 = arith.constant 0 : i32
      %dma_start3A_543 = arith.constant 0 : i32
      %dma_start3A_544 = tpu.memref_slice %arg2[%dma_start3A_542, %dma_start3A_543] : memref<20000x64xf32, #tpu.memory_space<hbm>> -> memref<20000x64xf32, #tpu.memory_space<hbm>>
      %dma_start3A_545 = tpu.memref_slice %arg10[%dma_start3A_536] : memref<5x!tpu.dma_semaphore, #tpu.memory_space<semaphore_mem>> -> memref<1x!tpu.dma_semaphore, #tpu.memory_space<semaphore_mem>>
      %dma_start3A_546 = tpu.memref_squeeze %dma_start3A_545 : memref<1x!tpu.dma_semaphore, #tpu.memory_space<semaphore_mem>> -> memref<!tpu.dma_semaphore, #tpu.memory_space<semaphore_mem>>
      tpu.enqueue_indirect_dma source(%dma_start3A_544 : memref<20000x64xf32, #tpu.memory_space<hbm>>) target(%dma_start3A_540 : memref<80x64xf32, #tpu.memory_space<vmem>>) offsets(%dma_start3A_541 : memref<80xi32, #tpu.memory_space<vmem>>) semaphore(%dma_start3A_546 : memref<!tpu.dma_semaphore, #tpu.memory_space<semaphore_mem>>)
      %dma_wait3A_547 = arith.constant 3 : i32
      %dma_wait3A_548 = arith.constant 0 : i32
      %dma_wait3A_549 = arith.constant 3 : i32
      %dma_wait3A_550 = arith.constant 0 : i32
      %dma_wait3A_551 = arith.constant 0 : i32
      %dma_wait3A_552 = tpu.memref_slice %arg8[%dma_wait3A_547, %dma_wait3A_550, %dma_wait3A_551] : memref<5x80x64xf32, #tpu.memory_space<vmem>> -> memref<1x80x64xf32, #tpu.memory_space<vmem>>
      %dma_wait3A_553 = tpu.memref_squeeze %dma_wait3A_552 : memref<1x80x64xf32, #tpu.memory_space<vmem>> -> memref<80x64xf32, #tpu.memory_space<vmem>>
      %dma_wait3A_554 = arith.constant 0 : i32
      %dma_wait3A_555 = tpu.memref_slice %arg7[%dma_wait3A_548, %dma_wait3A_554] : memref<250x80xi32, #tpu.memory_space<vmem>> -> memref<1x80xi32, #tpu.memory_space<vmem>>
      %dma_wait3A_556 = tpu.memref_squeeze %dma_wait3A_555 : memref<1x80xi32, #tpu.memory_space<vmem>> -> memref<80xi32, #tpu.memory_space<vmem>>
      %dma_wait3A_557 = arith.constant 0 : i32
      %dma_wait3A_558 = arith.constant 0 : i32
      %dma_wait3A_559 = tpu.memref_slice %arg9[%dma_wait3A_557, %dma_wait3A_558] : memref<10240x64xf32, #tpu.memory_space<vmem_shared>> -> memref<10240x64xf32, #tpu.memory_space<vmem_shared>>
      %dma_wait3A_560 = tpu.memref_slice %arg11[%dma_wait3A_549] : memref<5x!tpu.dma_semaphore, #tpu.memory_space<semaphore_mem>> -> memref<1x!tpu.dma_semaphore, #tpu.memory_space<semaphore_mem>>
      %dma_wait3A_561 = tpu.memref_squeeze %dma_wait3A_560 : memref<1x!tpu.dma_semaphore, #tpu.memory_space<semaphore_mem>> -> memref<!tpu.dma_semaphore, #tpu.memory_space<semaphore_mem>>
      tpu.wait_indirect_dma semaphore(%dma_wait3A_561 : memref<!tpu.dma_semaphore, #tpu.memory_space<semaphore_mem>>) src(%dma_wait3A_553 : memref<80x64xf32, #tpu.memory_space<vmem>>) dst(%dma_wait3A_559 : memref<10240x64xf32, #tpu.memory_space<vmem_shared>>)
      %add3A_562 = arith.constant 5 : i32
      %add3A_563 = arith.addi %add3A_302, %add3A_562 : i32
      %add3A_564 = arith.constant 3 : i32
      %add3A_565 = arith.addi %add3A_563, %add3A_564 : i32
      %mul3A_566 = arith.constant 80 : i32
      %mul3A_567 = arith.muli %add3A_565, %mul3A_566 : i32
      %dma_start3A_568 = arith.constant 3 : i32
      %dma_start3A_569 = arith.constant 3 : i32
      %dma_start3A_570 = arith.constant 0 : i32
      %dma_start3A_571 = arith.constant 0 : i32
      %dma_start3A_572 = tpu.memref_slice %arg8[%dma_start3A_568, %dma_start3A_570, %dma_start3A_571] : memref<5x80x64xf32, #tpu.memory_space<vmem>> -> memref<1x80x64xf32, #tpu.memory_space<vmem>>
      %dma_start3A_573 = tpu.memref_squeeze %dma_start3A_572 : memref<1x80x64xf32, #tpu.memory_space<vmem>> -> memref<80x64xf32, #tpu.memory_space<vmem>>
      %dma_start3A_574 = tpu.memref_slice %arg6[%mul3A_567] : memref<20000xi32, #tpu.memory_space<vmem>> -> memref<80xi32, #tpu.memory_space<vmem>>
      %dma_start3A_575 = arith.constant 0 : i32
      %dma_start3A_576 = arith.constant 0 : i32
      %dma_start3A_577 = tpu.memref_slice %arg2[%dma_start3A_575, %dma_start3A_576] : memref<20000x64xf32, #tpu.memory_space<hbm>> -> memref<20000x64xf32, #tpu.memory_space<hbm>>
      %dma_start3A_578 = tpu.memref_slice %arg10[%dma_start3A_569] : memref<5x!tpu.dma_semaphore, #tpu.memory_space<semaphore_mem>> -> memref<1x!tpu.dma_semaphore, #tpu.memory_space<semaphore_mem>>
      %dma_start3A_579 = tpu.memref_squeeze %dma_start3A_578 : memref<1x!tpu.dma_semaphore, #tpu.memory_space<semaphore_mem>> -> memref<!tpu.dma_semaphore, #tpu.memory_space<semaphore_mem>>
      tpu.enqueue_indirect_dma source(%dma_start3A_577 : memref<20000x64xf32, #tpu.memory_space<hbm>>) target(%dma_start3A_573 : memref<80x64xf32, #tpu.memory_space<vmem>>) offsets(%dma_start3A_574 : memref<80xi32, #tpu.memory_space<vmem>>) semaphore(%dma_start3A_579 : memref<!tpu.dma_semaphore, #tpu.memory_space<semaphore_mem>>)
      %dma_wait3A_580 = arith.constant 4 : i32
      %dma_wait3A_581 = arith.constant 0 : i32
      %dma_wait3A_582 = arith.constant 4 : i32
      %dma_wait3A_583 = arith.constant 0 : i32
      %dma_wait3A_584 = arith.constant 0 : i32
      %dma_wait3A_585 = tpu.memref_slice %arg8[%dma_wait3A_580, %dma_wait3A_583, %dma_wait3A_584] : memref<5x80x64xf32, #tpu.memory_space<vmem>> -> memref<1x80x64xf32, #tpu.memory_space<vmem>>
      %dma_wait3A_586 = tpu.memref_squeeze %dma_wait3A_585 : memref<1x80x64xf32, #tpu.memory_space<vmem>> -> memref<80x64xf32, #tpu.memory_space<vmem>>
      %dma_wait3A_587 = arith.constant 0 : i32
      %dma_wait3A_588 = tpu.memref_slice %arg7[%dma_wait3A_581, %dma_wait3A_587] : memref<250x80xi32, #tpu.memory_space<vmem>> -> memref<1x80xi32, #tpu.memory_space<vmem>>
      %dma_wait3A_589 = tpu.memref_squeeze %dma_wait3A_588 : memref<1x80xi32, #tpu.memory_space<vmem>> -> memref<80xi32, #tpu.memory_space<vmem>>
      %dma_wait3A_590 = arith.constant 0 : i32
      %dma_wait3A_591 = arith.constant 0 : i32
      %dma_wait3A_592 = tpu.memref_slice %arg9[%dma_wait3A_590, %dma_wait3A_591] : memref<10240x64xf32, #tpu.memory_space<vmem_shared>> -> memref<10240x64xf32, #tpu.memory_space<vmem_shared>>
      %dma_wait3A_593 = tpu.memref_slice %arg11[%dma_wait3A_582] : memref<5x!tpu.dma_semaphore, #tpu.memory_space<semaphore_mem>> -> memref<1x!tpu.dma_semaphore, #tpu.memory_space<semaphore_mem>>
      %dma_wait3A_594 = tpu.memref_squeeze %dma_wait3A_593 : memref<1x!tpu.dma_semaphore, #tpu.memory_space<semaphore_mem>> -> memref<!tpu.dma_semaphore, #tpu.memory_space<semaphore_mem>>
      tpu.wait_indirect_dma semaphore(%dma_wait3A_594 : memref<!tpu.dma_semaphore, #tpu.memory_space<semaphore_mem>>) src(%dma_wait3A_586 : memref<80x64xf32, #tpu.memory_space<vmem>>) dst(%dma_wait3A_592 : memref<10240x64xf32, #tpu.memory_space<vmem_shared>>)
      %add3A_595 = arith.constant 5 : i32
      %add3A_596 = arith.addi %add3A_302, %add3A_595 : i32
      %add3A_597 = arith.constant 4 : i32
      %add3A_598 = arith.addi %add3A_596, %add3A_597 : i32
      %mul3A_599 = arith.constant 80 : i32
      %mul3A_600 = arith.muli %add3A_598, %mul3A_599 : i32
      %dma_start3A_601 = arith.constant 4 : i32
      %dma_start3A_602 = arith.constant 4 : i32
      %dma_start3A_603 = arith.constant 0 : i32
      %dma_start3A_604 = arith.constant 0 : i32
      %dma_start3A_605 = tpu.memref_slice %arg8[%dma_start3A_601, %dma_start3A_603, %dma_start3A_604] : memref<5x80x64xf32, #tpu.memory_space<vmem>> -> memref<1x80x64xf32, #tpu.memory_space<vmem>>
      %dma_start3A_606 = tpu.memref_squeeze %dma_start3A_605 : memref<1x80x64xf32, #tpu.memory_space<vmem>> -> memref<80x64xf32, #tpu.memory_space<vmem>>
      %dma_start3A_607 = tpu.memref_slice %arg6[%mul3A_600] : memref<20000xi32, #tpu.memory_space<vmem>> -> memref<80xi32, #tpu.memory_space<vmem>>
      %dma_start3A_608 = arith.constant 0 : i32
      %dma_start3A_609 = arith.constant 0 : i32
      %dma_start3A_610 = tpu.memref_slice %arg2[%dma_start3A_608, %dma_start3A_609] : memref<20000x64xf32, #tpu.memory_space<hbm>> -> memref<20000x64xf32, #tpu.memory_space<hbm>>
      %dma_start3A_611 = tpu.memref_slice %arg10[%dma_start3A_602] : memref<5x!tpu.dma_semaphore, #tpu.memory_space<semaphore_mem>> -> memref<1x!tpu.dma_semaphore, #tpu.memory_space<semaphore_mem>>
      %dma_start3A_612 = tpu.memref_squeeze %dma_start3A_611 : memref<1x!tpu.dma_semaphore, #tpu.memory_space<semaphore_mem>> -> memref<!tpu.dma_semaphore, #tpu.memory_space<semaphore_mem>>
      tpu.enqueue_indirect_dma source(%dma_start3A_610 : memref<20000x64xf32, #tpu.memory_space<hbm>>) target(%dma_start3A_606 : memref<80x64xf32, #tpu.memory_space<vmem>>) offsets(%dma_start3A_607 : memref<80xi32, #tpu.memory_space<vmem>>) semaphore(%dma_start3A_612 : memref<!tpu.dma_semaphore, #tpu.memory_space<semaphore_mem>>)
    }
    %scan3A_83 = arith.constant 49 : i32
    %dma_wait3A = arith.constant 0 : i32
    %dma_wait3A_84 = arith.constant 0 : i32
    %dma_wait3A_85 = arith.constant 0 : i32
    %dma_wait3A_86 = arith.constant 0 : i32
    %dma_wait3A_87 = tpu.memref_slice %arg8[%dma_wait3A, %dma_wait3A_85, %dma_wait3A_86] : memref<5x80x64xf32, #tpu.memory_space<vmem>> -> memref<1x80x64xf32, #tpu.memory_space<vmem>>
    %dma_wait3A_88 = tpu.memref_squeeze %dma_wait3A_87 : memref<1x80x64xf32, #tpu.memory_space<vmem>> -> memref<80x64xf32, #tpu.memory_space<vmem>>
    %dma_wait3A_89 = arith.constant 0 : i32
    %dma_wait3A_90 = tpu.memref_slice %arg6[%dma_wait3A_89] : memref<20000xi32, #tpu.memory_space<vmem>> -> memref<80xi32, #tpu.memory_space<vmem>>
    %dma_wait3A_91 = arith.constant 0 : i32
    %dma_wait3A_92 = arith.constant 0 : i32
    %dma_wait3A_93 = tpu.memref_slice %arg2[%dma_wait3A_91, %dma_wait3A_92] : memref<20000x64xf32, #tpu.memory_space<hbm>> -> memref<20000x64xf32, #tpu.memory_space<hbm>>
    %dma_wait3A_94 = tpu.memref_slice %arg10[%dma_wait3A_84] : memref<5x!tpu.dma_semaphore, #tpu.memory_space<semaphore_mem>> -> memref<1x!tpu.dma_semaphore, #tpu.memory_space<semaphore_mem>>
    %dma_wait3A_95 = tpu.memref_squeeze %dma_wait3A_94 : memref<1x!tpu.dma_semaphore, #tpu.memory_space<semaphore_mem>> -> memref<!tpu.dma_semaphore, #tpu.memory_space<semaphore_mem>>
    tpu.wait_indirect_dma semaphore(%dma_wait3A_95 : memref<!tpu.dma_semaphore, #tpu.memory_space<semaphore_mem>>) src(%dma_wait3A_93 : memref<20000x64xf32, #tpu.memory_space<hbm>>) dst(%dma_wait3A_88 : memref<80x64xf32, #tpu.memory_space<vmem>>)
    %dma_start3A_96 = arith.constant 0 : i32
    %dma_start3A_97 = arith.constant 245 : i32
    %dma_start3A_98 = arith.constant 0 : i32
    %dma_start3A_99 = arith.constant 0 : i32
    %dma_start3A_100 = arith.constant 0 : i32
    %dma_start3A_101 = tpu.memref_slice %arg8[%dma_start3A_96, %dma_start3A_99, %dma_start3A_100] : memref<5x80x64xf32, #tpu.memory_space<vmem>> -> memref<1x80x64xf32, #tpu.memory_space<vmem>>
    %dma_start3A_102 = tpu.memref_squeeze %dma_start3A_101 : memref<1x80x64xf32, #tpu.memory_space<vmem>> -> memref<80x64xf32, #tpu.memory_space<vmem>>
    %dma_start3A_103 = arith.constant 0 : i32
    %dma_start3A_104 = tpu.memref_slice %arg7[%dma_start3A_97, %dma_start3A_103] : memref<250x80xi32, #tpu.memory_space<vmem>> -> memref<1x80xi32, #tpu.memory_space<vmem>>
    %dma_start3A_105 = tpu.memref_squeeze %dma_start3A_104 : memref<1x80xi32, #tpu.memory_space<vmem>> -> memref<80xi32, #tpu.memory_space<vmem>>
    %dma_start3A_106 = arith.constant 0 : i32
    %dma_start3A_107 = arith.constant 0 : i32
    %dma_start3A_108 = tpu.memref_slice %arg9[%dma_start3A_106, %dma_start3A_107] : memref<10240x64xf32, #tpu.memory_space<vmem_shared>> -> memref<10240x64xf32, #tpu.memory_space<vmem_shared>>
    %dma_start3A_109 = tpu.memref_slice %arg11[%dma_start3A_98] : memref<5x!tpu.dma_semaphore, #tpu.memory_space<semaphore_mem>> -> memref<1x!tpu.dma_semaphore, #tpu.memory_space<semaphore_mem>>
    %dma_start3A_110 = tpu.memref_squeeze %dma_start3A_109 : memref<1x!tpu.dma_semaphore, #tpu.memory_space<semaphore_mem>> -> memref<!tpu.dma_semaphore, #tpu.memory_space<semaphore_mem>>
    tpu.enqueue_indirect_dma source(%dma_start3A_102 : memref<80x64xf32, #tpu.memory_space<vmem>>) target(%dma_start3A_108 : memref<10240x64xf32, #tpu.memory_space<vmem_shared>>) offsets(%dma_start3A_105 : memref<80xi32, #tpu.memory_space<vmem>>) semaphore(%dma_start3A_110 : memref<!tpu.dma_semaphore, #tpu.memory_space<semaphore_mem>>) {add = true}
    %dma_wait3A_111 = arith.constant 1 : i32
    %dma_wait3A_112 = arith.constant 1 : i32
    %dma_wait3A_113 = arith.constant 0 : i32
    %dma_wait3A_114 = arith.constant 0 : i32
    %dma_wait3A_115 = tpu.memref_slice %arg8[%dma_wait3A_111, %dma_wait3A_113, %dma_wait3A_114] : memref<5x80x64xf32, #tpu.memory_space<vmem>> -> memref<1x80x64xf32, #tpu.memory_space<vmem>>
    %dma_wait3A_116 = tpu.memref_squeeze %dma_wait3A_115 : memref<1x80x64xf32, #tpu.memory_space<vmem>> -> memref<80x64xf32, #tpu.memory_space<vmem>>
    %dma_wait3A_117 = arith.constant 0 : i32
    %dma_wait3A_118 = tpu.memref_slice %arg6[%dma_wait3A_117] : memref<20000xi32, #tpu.memory_space<vmem>> -> memref<80xi32, #tpu.memory_space<vmem>>
    %dma_wait3A_119 = arith.constant 0 : i32
    %dma_wait3A_120 = arith.constant 0 : i32
    %dma_wait3A_121 = tpu.memref_slice %arg2[%dma_wait3A_119, %dma_wait3A_120] : memref<20000x64xf32, #tpu.memory_space<hbm>> -> memref<20000x64xf32, #tpu.memory_space<hbm>>
    %dma_wait3A_122 = tpu.memref_slice %arg10[%dma_wait3A_112] : memref<5x!tpu.dma_semaphore, #tpu.memory_space<semaphore_mem>> -> memref<1x!tpu.dma_semaphore, #tpu.memory_space<semaphore_mem>>
    %dma_wait3A_123 = tpu.memref_squeeze %dma_wait3A_122 : memref<1x!tpu.dma_semaphore, #tpu.memory_space<semaphore_mem>> -> memref<!tpu.dma_semaphore, #tpu.memory_space<semaphore_mem>>
    tpu.wait_indirect_dma semaphore(%dma_wait3A_123 : memref<!tpu.dma_semaphore, #tpu.memory_space<semaphore_mem>>) src(%dma_wait3A_121 : memref<20000x64xf32, #tpu.memory_space<hbm>>) dst(%dma_wait3A_116 : memref<80x64xf32, #tpu.memory_space<vmem>>)
    %dma_start3A_124 = arith.constant 1 : i32
    %dma_start3A_125 = arith.constant 246 : i32
    %dma_start3A_126 = arith.constant 1 : i32
    %dma_start3A_127 = arith.constant 0 : i32
    %dma_start3A_128 = arith.constant 0 : i32
    %dma_start3A_129 = tpu.memref_slice %arg8[%dma_start3A_124, %dma_start3A_127, %dma_start3A_128] : memref<5x80x64xf32, #tpu.memory_space<vmem>> -> memref<1x80x64xf32, #tpu.memory_space<vmem>>
    %dma_start3A_130 = tpu.memref_squeeze %dma_start3A_129 : memref<1x80x64xf32, #tpu.memory_space<vmem>> -> memref<80x64xf32, #tpu.memory_space<vmem>>
    %dma_start3A_131 = arith.constant 0 : i32
    %dma_start3A_132 = tpu.memref_slice %arg7[%dma_start3A_125, %dma_start3A_131] : memref<250x80xi32, #tpu.memory_space<vmem>> -> memref<1x80xi32, #tpu.memory_space<vmem>>
    %dma_start3A_133 = tpu.memref_squeeze %dma_start3A_132 : memref<1x80xi32, #tpu.memory_space<vmem>> -> memref<80xi32, #tpu.memory_space<vmem>>
    %dma_start3A_134 = arith.constant 0 : i32
    %dma_start3A_135 = arith.constant 0 : i32
    %dma_start3A_136 = tpu.memref_slice %arg9[%dma_start3A_134, %dma_start3A_135] : memref<10240x64xf32, #tpu.memory_space<vmem_shared>> -> memref<10240x64xf32, #tpu.memory_space<vmem_shared>>
    %dma_start3A_137 = tpu.memref_slice %arg11[%dma_start3A_126] : memref<5x!tpu.dma_semaphore, #tpu.memory_space<semaphore_mem>> -> memref<1x!tpu.dma_semaphore, #tpu.memory_space<semaphore_mem>>
    %dma_start3A_138 = tpu.memref_squeeze %dma_start3A_137 : memref<1x!tpu.dma_semaphore, #tpu.memory_space<semaphore_mem>> -> memref<!tpu.dma_semaphore, #tpu.memory_space<semaphore_mem>>
    tpu.enqueue_indirect_dma source(%dma_start3A_130 : memref<80x64xf32, #tpu.memory_space<vmem>>) target(%dma_start3A_136 : memref<10240x64xf32, #tpu.memory_space<vmem_shared>>) offsets(%dma_start3A_133 : memref<80xi32, #tpu.memory_space<vmem>>) semaphore(%dma_start3A_138 : memref<!tpu.dma_semaphore, #tpu.memory_space<semaphore_mem>>) {add = true}
    %dma_wait3A_139 = arith.constant 2 : i32
    %dma_wait3A_140 = arith.constant 2 : i32
    %dma_wait3A_141 = arith.constant 0 : i32
    %dma_wait3A_142 = arith.constant 0 : i32
    %dma_wait3A_143 = tpu.memref_slice %arg8[%dma_wait3A_139, %dma_wait3A_141, %dma_wait3A_142] : memref<5x80x64xf32, #tpu.memory_space<vmem>> -> memref<1x80x64xf32, #tpu.memory_space<vmem>>
    %dma_wait3A_144 = tpu.memref_squeeze %dma_wait3A_143 : memref<1x80x64xf32, #tpu.memory_space<vmem>> -> memref<80x64xf32, #tpu.memory_space<vmem>>
    %dma_wait3A_145 = arith.constant 0 : i32
    %dma_wait3A_146 = tpu.memref_slice %arg6[%dma_wait3A_145] : memref<20000xi32, #tpu.memory_space<vmem>> -> memref<80xi32, #tpu.memory_space<vmem>>
    %dma_wait3A_147 = arith.constant 0 : i32
    %dma_wait3A_148 = arith.constant 0 : i32
    %dma_wait3A_149 = tpu.memref_slice %arg2[%dma_wait3A_147, %dma_wait3A_148] : memref<20000x64xf32, #tpu.memory_space<hbm>> -> memref<20000x64xf32, #tpu.memory_space<hbm>>
    %dma_wait3A_150 = tpu.memref_slice %arg10[%dma_wait3A_140] : memref<5x!tpu.dma_semaphore, #tpu.memory_space<semaphore_mem>> -> memref<1x!tpu.dma_semaphore, #tpu.memory_space<semaphore_mem>>
    %dma_wait3A_151 = tpu.memref_squeeze %dma_wait3A_150 : memref<1x!tpu.dma_semaphore, #tpu.memory_space<semaphore_mem>> -> memref<!tpu.dma_semaphore, #tpu.memory_space<semaphore_mem>>
    tpu.wait_indirect_dma semaphore(%dma_wait3A_151 : memref<!tpu.dma_semaphore, #tpu.memory_space<semaphore_mem>>) src(%dma_wait3A_149 : memref<20000x64xf32, #tpu.memory_space<hbm>>) dst(%dma_wait3A_144 : memref<80x64xf32, #tpu.memory_space<vmem>>)
    %dma_start3A_152 = arith.constant 2 : i32
    %dma_start3A_153 = arith.constant 247 : i32
    %dma_start3A_154 = arith.constant 2 : i32
    %dma_start3A_155 = arith.constant 0 : i32
    %dma_start3A_156 = arith.constant 0 : i32
    %dma_start3A_157 = tpu.memref_slice %arg8[%dma_start3A_152, %dma_start3A_155, %dma_start3A_156] : memref<5x80x64xf32, #tpu.memory_space<vmem>> -> memref<1x80x64xf32, #tpu.memory_space<vmem>>
    %dma_start3A_158 = tpu.memref_squeeze %dma_start3A_157 : memref<1x80x64xf32, #tpu.memory_space<vmem>> -> memref<80x64xf32, #tpu.memory_space<vmem>>
    %dma_start3A_159 = arith.constant 0 : i32
    %dma_start3A_160 = tpu.memref_slice %arg7[%dma_start3A_153, %dma_start3A_159] : memref<250x80xi32, #tpu.memory_space<vmem>> -> memref<1x80xi32, #tpu.memory_space<vmem>>
    %dma_start3A_161 = tpu.memref_squeeze %dma_start3A_160 : memref<1x80xi32, #tpu.memory_space<vmem>> -> memref<80xi32, #tpu.memory_space<vmem>>
    %dma_start3A_162 = arith.constant 0 : i32
    %dma_start3A_163 = arith.constant 0 : i32
    %dma_start3A_164 = tpu.memref_slice %arg9[%dma_start3A_162, %dma_start3A_163] : memref<10240x64xf32, #tpu.memory_space<vmem_shared>> -> memref<10240x64xf32, #tpu.memory_space<vmem_shared>>
    %dma_start3A_165 = tpu.memref_slice %arg11[%dma_start3A_154] : memref<5x!tpu.dma_semaphore, #tpu.memory_space<semaphore_mem>> -> memref<1x!tpu.dma_semaphore, #tpu.memory_space<semaphore_mem>>
    %dma_start3A_166 = tpu.memref_squeeze %dma_start3A_165 : memref<1x!tpu.dma_semaphore, #tpu.memory_space<semaphore_mem>> -> memref<!tpu.dma_semaphore, #tpu.memory_space<semaphore_mem>>
    tpu.enqueue_indirect_dma source(%dma_start3A_158 : memref<80x64xf32, #tpu.memory_space<vmem>>) target(%dma_start3A_164 : memref<10240x64xf32, #tpu.memory_space<vmem_shared>>) offsets(%dma_start3A_161 : memref<80xi32, #tpu.memory_space<vmem>>) semaphore(%dma_start3A_166 : memref<!tpu.dma_semaphore, #tpu.memory_space<semaphore_mem>>) {add = true}
    %dma_wait3A_167 = arith.constant 3 : i32
    %dma_wait3A_168 = arith.constant 3 : i32
    %dma_wait3A_169 = arith.constant 0 : i32
    %dma_wait3A_170 = arith.constant 0 : i32
    %dma_wait3A_171 = tpu.memref_slice %arg8[%dma_wait3A_167, %dma_wait3A_169, %dma_wait3A_170] : memref<5x80x64xf32, #tpu.memory_space<vmem>> -> memref<1x80x64xf32, #tpu.memory_space<vmem>>
    %dma_wait3A_172 = tpu.memref_squeeze %dma_wait3A_171 : memref<1x80x64xf32, #tpu.memory_space<vmem>> -> memref<80x64xf32, #tpu.memory_space<vmem>>
    %dma_wait3A_173 = arith.constant 0 : i32
    %dma_wait3A_174 = tpu.memref_slice %arg6[%dma_wait3A_173] : memref<20000xi32, #tpu.memory_space<vmem>> -> memref<80xi32, #tpu.memory_space<vmem>>
    %dma_wait3A_175 = arith.constant 0 : i32
    %dma_wait3A_176 = arith.constant 0 : i32
    %dma_wait3A_177 = tpu.memref_slice %arg2[%dma_wait3A_175, %dma_wait3A_176] : memref<20000x64xf32, #tpu.memory_space<hbm>> -> memref<20000x64xf32, #tpu.memory_space<hbm>>
    %dma_wait3A_178 = tpu.memref_slice %arg10[%dma_wait3A_168] : memref<5x!tpu.dma_semaphore, #tpu.memory_space<semaphore_mem>> -> memref<1x!tpu.dma_semaphore, #tpu.memory_space<semaphore_mem>>
    %dma_wait3A_179 = tpu.memref_squeeze %dma_wait3A_178 : memref<1x!tpu.dma_semaphore, #tpu.memory_space<semaphore_mem>> -> memref<!tpu.dma_semaphore, #tpu.memory_space<semaphore_mem>>
    tpu.wait_indirect_dma semaphore(%dma_wait3A_179 : memref<!tpu.dma_semaphore, #tpu.memory_space<semaphore_mem>>) src(%dma_wait3A_177 : memref<20000x64xf32, #tpu.memory_space<hbm>>) dst(%dma_wait3A_172 : memref<80x64xf32, #tpu.memory_space<vmem>>)
    %dma_start3A_180 = arith.constant 3 : i32
    %dma_start3A_181 = arith.constant 248 : i32
    %dma_start3A_182 = arith.constant 3 : i32
    %dma_start3A_183 = arith.constant 0 : i32
    %dma_start3A_184 = arith.constant 0 : i32
    %dma_start3A_185 = tpu.memref_slice %arg8[%dma_start3A_180, %dma_start3A_183, %dma_start3A_184] : memref<5x80x64xf32, #tpu.memory_space<vmem>> -> memref<1x80x64xf32, #tpu.memory_space<vmem>>
    %dma_start3A_186 = tpu.memref_squeeze %dma_start3A_185 : memref<1x80x64xf32, #tpu.memory_space<vmem>> -> memref<80x64xf32, #tpu.memory_space<vmem>>
    %dma_start3A_187 = arith.constant 0 : i32
    %dma_start3A_188 = tpu.memref_slice %arg7[%dma_start3A_181, %dma_start3A_187] : memref<250x80xi32, #tpu.memory_space<vmem>> -> memref<1x80xi32, #tpu.memory_space<vmem>>
    %dma_start3A_189 = tpu.memref_squeeze %dma_start3A_188 : memref<1x80xi32, #tpu.memory_space<vmem>> -> memref<80xi32, #tpu.memory_space<vmem>>
    %dma_start3A_190 = arith.constant 0 : i32
    %dma_start3A_191 = arith.constant 0 : i32
    %dma_start3A_192 = tpu.memref_slice %arg9[%dma_start3A_190, %dma_start3A_191] : memref<10240x64xf32, #tpu.memory_space<vmem_shared>> -> memref<10240x64xf32, #tpu.memory_space<vmem_shared>>
    %dma_start3A_193 = tpu.memref_slice %arg11[%dma_start3A_182] : memref<5x!tpu.dma_semaphore, #tpu.memory_space<semaphore_mem>> -> memref<1x!tpu.dma_semaphore, #tpu.memory_space<semaphore_mem>>
    %dma_start3A_194 = tpu.memref_squeeze %dma_start3A_193 : memref<1x!tpu.dma_semaphore, #tpu.memory_space<semaphore_mem>> -> memref<!tpu.dma_semaphore, #tpu.memory_space<semaphore_mem>>
    tpu.enqueue_indirect_dma source(%dma_start3A_186 : memref<80x64xf32, #tpu.memory_space<vmem>>) target(%dma_start3A_192 : memref<10240x64xf32, #tpu.memory_space<vmem_shared>>) offsets(%dma_start3A_189 : memref<80xi32, #tpu.memory_space<vmem>>) semaphore(%dma_start3A_194 : memref<!tpu.dma_semaphore, #tpu.memory_space<semaphore_mem>>) {add = true}
    %dma_wait3A_195 = arith.constant 4 : i32
    %dma_wait3A_196 = arith.constant 4 : i32
    %dma_wait3A_197 = arith.constant 0 : i32
    %dma_wait3A_198 = arith.constant 0 : i32
    %dma_wait3A_199 = tpu.memref_slice %arg8[%dma_wait3A_195, %dma_wait3A_197, %dma_wait3A_198] : memref<5x80x64xf32, #tpu.memory_space<vmem>> -> memref<1x80x64xf32, #tpu.memory_space<vmem>>
    %dma_wait3A_200 = tpu.memref_squeeze %dma_wait3A_199 : memref<1x80x64xf32, #tpu.memory_space<vmem>> -> memref<80x64xf32, #tpu.memory_space<vmem>>
    %dma_wait3A_201 = arith.constant 0 : i32
    %dma_wait3A_202 = tpu.memref_slice %arg6[%dma_wait3A_201] : memref<20000xi32, #tpu.memory_space<vmem>> -> memref<80xi32, #tpu.memory_space<vmem>>
    %dma_wait3A_203 = arith.constant 0 : i32
    %dma_wait3A_204 = arith.constant 0 : i32
    %dma_wait3A_205 = tpu.memref_slice %arg2[%dma_wait3A_203, %dma_wait3A_204] : memref<20000x64xf32, #tpu.memory_space<hbm>> -> memref<20000x64xf32, #tpu.memory_space<hbm>>
    %dma_wait3A_206 = tpu.memref_slice %arg10[%dma_wait3A_196] : memref<5x!tpu.dma_semaphore, #tpu.memory_space<semaphore_mem>> -> memref<1x!tpu.dma_semaphore, #tpu.memory_space<semaphore_mem>>
    %dma_wait3A_207 = tpu.memref_squeeze %dma_wait3A_206 : memref<1x!tpu.dma_semaphore, #tpu.memory_space<semaphore_mem>> -> memref<!tpu.dma_semaphore, #tpu.memory_space<semaphore_mem>>
    tpu.wait_indirect_dma semaphore(%dma_wait3A_207 : memref<!tpu.dma_semaphore, #tpu.memory_space<semaphore_mem>>) src(%dma_wait3A_205 : memref<20000x64xf32, #tpu.memory_space<hbm>>) dst(%dma_wait3A_200 : memref<80x64xf32, #tpu.memory_space<vmem>>)
    %dma_start3A_208 = arith.constant 4 : i32
    %dma_start3A_209 = arith.constant 249 : i32
    %dma_start3A_210 = arith.constant 4 : i32
    %dma_start3A_211 = arith.constant 0 : i32
    %dma_start3A_212 = arith.constant 0 : i32
    %dma_start3A_213 = tpu.memref_slice %arg8[%dma_start3A_208, %dma_start3A_211, %dma_start3A_212] : memref<5x80x64xf32, #tpu.memory_space<vmem>> -> memref<1x80x64xf32, #tpu.memory_space<vmem>>
    %dma_start3A_214 = tpu.memref_squeeze %dma_start3A_213 : memref<1x80x64xf32, #tpu.memory_space<vmem>> -> memref<80x64xf32, #tpu.memory_space<vmem>>
    %dma_start3A_215 = arith.constant 0 : i32
    %dma_start3A_216 = tpu.memref_slice %arg7[%dma_start3A_209, %dma_start3A_215] : memref<250x80xi32, #tpu.memory_space<vmem>> -> memref<1x80xi32, #tpu.memory_space<vmem>>
    %dma_start3A_217 = tpu.memref_squeeze %dma_start3A_216 : memref<1x80xi32, #tpu.memory_space<vmem>> -> memref<80xi32, #tpu.memory_space<vmem>>
    %dma_start3A_218 = arith.constant 0 : i32
    %dma_start3A_219 = arith.constant 0 : i32
    %dma_start3A_220 = tpu.memref_slice %arg9[%dma_start3A_218, %dma_start3A_219] : memref<10240x64xf32, #tpu.memory_space<vmem_shared>> -> memref<10240x64xf32, #tpu.memory_space<vmem_shared>>
    %dma_start3A_221 = tpu.memref_slice %arg11[%dma_start3A_210] : memref<5x!tpu.dma_semaphore, #tpu.memory_space<semaphore_mem>> -> memref<1x!tpu.dma_semaphore, #tpu.memory_space<semaphore_mem>>
    %dma_start3A_222 = tpu.memref_squeeze %dma_start3A_221 : memref<1x!tpu.dma_semaphore, #tpu.memory_space<semaphore_mem>> -> memref<!tpu.dma_semaphore, #tpu.memory_space<semaphore_mem>>
    tpu.enqueue_indirect_dma source(%dma_start3A_214 : memref<80x64xf32, #tpu.memory_space<vmem>>) target(%dma_start3A_220 : memref<10240x64xf32, #tpu.memory_space<vmem_shared>>) offsets(%dma_start3A_217 : memref<80xi32, #tpu.memory_space<vmem>>) semaphore(%dma_start3A_222 : memref<!tpu.dma_semaphore, #tpu.memory_space<semaphore_mem>>) {add = true}
    %dma_wait3A_223 = arith.constant 0 : i32
    %dma_wait3A_224 = arith.constant 0 : i32
    %dma_wait3A_225 = arith.constant 0 : i32
    %dma_wait3A_226 = arith.constant 0 : i32
    %dma_wait3A_227 = arith.constant 0 : i32
    %dma_wait3A_228 = tpu.memref_slice %arg8[%dma_wait3A_223, %dma_wait3A_226, %dma_wait3A_227] : memref<5x80x64xf32, #tpu.memory_space<vmem>> -> memref<1x80x64xf32, #tpu.memory_space<vmem>>
    %dma_wait3A_229 = tpu.memref_squeeze %dma_wait3A_228 : memref<1x80x64xf32, #tpu.memory_space<vmem>> -> memref<80x64xf32, #tpu.memory_space<vmem>>
    %dma_wait3A_230 = arith.constant 0 : i32
    %dma_wait3A_231 = tpu.memref_slice %arg7[%dma_wait3A_224, %dma_wait3A_230] : memref<250x80xi32, #tpu.memory_space<vmem>> -> memref<1x80xi32, #tpu.memory_space<vmem>>
    %dma_wait3A_232 = tpu.memref_squeeze %dma_wait3A_231 : memref<1x80xi32, #tpu.memory_space<vmem>> -> memref<80xi32, #tpu.memory_space<vmem>>
    %dma_wait3A_233 = arith.constant 0 : i32
    %dma_wait3A_234 = arith.constant 0 : i32
    %dma_wait3A_235 = tpu.memref_slice %arg9[%dma_wait3A_233, %dma_wait3A_234] : memref<10240x64xf32, #tpu.memory_space<vmem_shared>> -> memref<10240x64xf32, #tpu.memory_space<vmem_shared>>
    %dma_wait3A_236 = tpu.memref_slice %arg11[%dma_wait3A_225] : memref<5x!tpu.dma_semaphore, #tpu.memory_space<semaphore_mem>> -> memref<1x!tpu.dma_semaphore, #tpu.memory_space<semaphore_mem>>
    %dma_wait3A_237 = tpu.memref_squeeze %dma_wait3A_236 : memref<1x!tpu.dma_semaphore, #tpu.memory_space<semaphore_mem>> -> memref<!tpu.dma_semaphore, #tpu.memory_space<semaphore_mem>>
    tpu.wait_indirect_dma semaphore(%dma_wait3A_237 : memref<!tpu.dma_semaphore, #tpu.memory_space<semaphore_mem>>) src(%dma_wait3A_229 : memref<80x64xf32, #tpu.memory_space<vmem>>) dst(%dma_wait3A_235 : memref<10240x64xf32, #tpu.memory_space<vmem_shared>>)
    %dma_wait3A_238 = arith.constant 1 : i32
    %dma_wait3A_239 = arith.constant 0 : i32
    %dma_wait3A_240 = arith.constant 1 : i32
    %dma_wait3A_241 = arith.constant 0 : i32
    %dma_wait3A_242 = arith.constant 0 : i32
    %dma_wait3A_243 = tpu.memref_slice %arg8[%dma_wait3A_238, %dma_wait3A_241, %dma_wait3A_242] : memref<5x80x64xf32, #tpu.memory_space<vmem>> -> memref<1x80x64xf32, #tpu.memory_space<vmem>>
    %dma_wait3A_244 = tpu.memref_squeeze %dma_wait3A_243 : memref<1x80x64xf32, #tpu.memory_space<vmem>> -> memref<80x64xf32, #tpu.memory_space<vmem>>
    %dma_wait3A_245 = arith.constant 0 : i32
    %dma_wait3A_246 = tpu.memref_slice %arg7[%dma_wait3A_239, %dma_wait3A_245] : memref<250x80xi32, #tpu.memory_space<vmem>> -> memref<1x80xi32, #tpu.memory_space<vmem>>
    %dma_wait3A_247 = tpu.memref_squeeze %dma_wait3A_246 : memref<1x80xi32, #tpu.memory_space<vmem>> -> memref<80xi32, #tpu.memory_space<vmem>>
    %dma_wait3A_248 = arith.constant 0 : i32
    %dma_wait3A_249 = arith.constant 0 : i32
    %dma_wait3A_250 = tpu.memref_slice %arg9[%dma_wait3A_248, %dma_wait3A_249] : memref<10240x64xf32, #tpu.memory_space<vmem_shared>> -> memref<10240x64xf32, #tpu.memory_space<vmem_shared>>
    %dma_wait3A_251 = tpu.memref_slice %arg11[%dma_wait3A_240] : memref<5x!tpu.dma_semaphore, #tpu.memory_space<semaphore_mem>> -> memref<1x!tpu.dma_semaphore, #tpu.memory_space<semaphore_mem>>
    %dma_wait3A_252 = tpu.memref_squeeze %dma_wait3A_251 : memref<1x!tpu.dma_semaphore, #tpu.memory_space<semaphore_mem>> -> memref<!tpu.dma_semaphore, #tpu.memory_space<semaphore_mem>>
    tpu.wait_indirect_dma semaphore(%dma_wait3A_252 : memref<!tpu.dma_semaphore, #tpu.memory_space<semaphore_mem>>) src(%dma_wait3A_244 : memref<80x64xf32, #tpu.memory_space<vmem>>) dst(%dma_wait3A_250 : memref<10240x64xf32, #tpu.memory_space<vmem_shared>>)
    %dma_wait3A_253 = arith.constant 2 : i32
    %dma_wait3A_254 = arith.constant 0 : i32
    %dma_wait3A_255 = arith.constant 2 : i32
    %dma_wait3A_256 = arith.constant 0 : i32
    %dma_wait3A_257 = arith.constant 0 : i32
    %dma_wait3A_258 = tpu.memref_slice %arg8[%dma_wait3A_253, %dma_wait3A_256, %dma_wait3A_257] : memref<5x80x64xf32, #tpu.memory_space<vmem>> -> memref<1x80x64xf32, #tpu.memory_space<vmem>>
    %dma_wait3A_259 = tpu.memref_squeeze %dma_wait3A_258 : memref<1x80x64xf32, #tpu.memory_space<vmem>> -> memref<80x64xf32, #tpu.memory_space<vmem>>
    %dma_wait3A_260 = arith.constant 0 : i32
    %dma_wait3A_261 = tpu.memref_slice %arg7[%dma_wait3A_254, %dma_wait3A_260] : memref<250x80xi32, #tpu.memory_space<vmem>> -> memref<1x80xi32, #tpu.memory_space<vmem>>
    %dma_wait3A_262 = tpu.memref_squeeze %dma_wait3A_261 : memref<1x80xi32, #tpu.memory_space<vmem>> -> memref<80xi32, #tpu.memory_space<vmem>>
    %dma_wait3A_263 = arith.constant 0 : i32
    %dma_wait3A_264 = arith.constant 0 : i32
    %dma_wait3A_265 = tpu.memref_slice %arg9[%dma_wait3A_263, %dma_wait3A_264] : memref<10240x64xf32, #tpu.memory_space<vmem_shared>> -> memref<10240x64xf32, #tpu.memory_space<vmem_shared>>
    %dma_wait3A_266 = tpu.memref_slice %arg11[%dma_wait3A_255] : memref<5x!tpu.dma_semaphore, #tpu.memory_space<semaphore_mem>> -> memref<1x!tpu.dma_semaphore, #tpu.memory_space<semaphore_mem>>
    %dma_wait3A_267 = tpu.memref_squeeze %dma_wait3A_266 : memref<1x!tpu.dma_semaphore, #tpu.memory_space<semaphore_mem>> -> memref<!tpu.dma_semaphore, #tpu.memory_space<semaphore_mem>>
    tpu.wait_indirect_dma semaphore(%dma_wait3A_267 : memref<!tpu.dma_semaphore, #tpu.memory_space<semaphore_mem>>) src(%dma_wait3A_259 : memref<80x64xf32, #tpu.memory_space<vmem>>) dst(%dma_wait3A_265 : memref<10240x64xf32, #tpu.memory_space<vmem_shared>>)
    %dma_wait3A_268 = arith.constant 3 : i32
    %dma_wait3A_269 = arith.constant 0 : i32
    %dma_wait3A_270 = arith.constant 3 : i32
    %dma_wait3A_271 = arith.constant 0 : i32
    %dma_wait3A_272 = arith.constant 0 : i32
    %dma_wait3A_273 = tpu.memref_slice %arg8[%dma_wait3A_268, %dma_wait3A_271, %dma_wait3A_272] : memref<5x80x64xf32, #tpu.memory_space<vmem>> -> memref<1x80x64xf32, #tpu.memory_space<vmem>>
    %dma_wait3A_274 = tpu.memref_squeeze %dma_wait3A_273 : memref<1x80x64xf32, #tpu.memory_space<vmem>> -> memref<80x64xf32, #tpu.memory_space<vmem>>
    %dma_wait3A_275 = arith.constant 0 : i32
    %dma_wait3A_276 = tpu.memref_slice %arg7[%dma_wait3A_269, %dma_wait3A_275] : memref<250x80xi32, #tpu.memory_space<vmem>> -> memref<1x80xi32, #tpu.memory_space<vmem>>
    %dma_wait3A_277 = tpu.memref_squeeze %dma_wait3A_276 : memref<1x80xi32, #tpu.memory_space<vmem>> -> memref<80xi32, #tpu.memory_space<vmem>>
    %dma_wait3A_278 = arith.constant 0 : i32
    %dma_wait3A_279 = arith.constant 0 : i32
    %dma_wait3A_280 = tpu.memref_slice %arg9[%dma_wait3A_278, %dma_wait3A_279] : memref<10240x64xf32, #tpu.memory_space<vmem_shared>> -> memref<10240x64xf32, #tpu.memory_space<vmem_shared>>
    %dma_wait3A_281 = tpu.memref_slice %arg11[%dma_wait3A_270] : memref<5x!tpu.dma_semaphore, #tpu.memory_space<semaphore_mem>> -> memref<1x!tpu.dma_semaphore, #tpu.memory_space<semaphore_mem>>
    %dma_wait3A_282 = tpu.memref_squeeze %dma_wait3A_281 : memref<1x!tpu.dma_semaphore, #tpu.memory_space<semaphore_mem>> -> memref<!tpu.dma_semaphore, #tpu.memory_space<semaphore_mem>>
    tpu.wait_indirect_dma semaphore(%dma_wait3A_282 : memref<!tpu.dma_semaphore, #tpu.memory_space<semaphore_mem>>) src(%dma_wait3A_274 : memref<80x64xf32, #tpu.memory_space<vmem>>) dst(%dma_wait3A_280 : memref<10240x64xf32, #tpu.memory_space<vmem_shared>>)
    %dma_wait3A_283 = arith.constant 4 : i32
    %dma_wait3A_284 = arith.constant 0 : i32
    %dma_wait3A_285 = arith.constant 4 : i32
    %dma_wait3A_286 = arith.constant 0 : i32
    %dma_wait3A_287 = arith.constant 0 : i32
    %dma_wait3A_288 = tpu.memref_slice %arg8[%dma_wait3A_283, %dma_wait3A_286, %dma_wait3A_287] : memref<5x80x64xf32, #tpu.memory_space<vmem>> -> memref<1x80x64xf32, #tpu.memory_space<vmem>>
    %dma_wait3A_289 = tpu.memref_squeeze %dma_wait3A_288 : memref<1x80x64xf32, #tpu.memory_space<vmem>> -> memref<80x64xf32, #tpu.memory_space<vmem>>
    %dma_wait3A_290 = arith.constant 0 : i32
    %dma_wait3A_291 = tpu.memref_slice %arg7[%dma_wait3A_284, %dma_wait3A_290] : memref<250x80xi32, #tpu.memory_space<vmem>> -> memref<1x80xi32, #tpu.memory_space<vmem>>
    %dma_wait3A_292 = tpu.memref_squeeze %dma_wait3A_291 : memref<1x80xi32, #tpu.memory_space<vmem>> -> memref<80xi32, #tpu.memory_space<vmem>>
    %dma_wait3A_293 = arith.constant 0 : i32
    %dma_wait3A_294 = arith.constant 0 : i32
    %dma_wait3A_295 = tpu.memref_slice %arg9[%dma_wait3A_293, %dma_wait3A_294] : memref<10240x64xf32, #tpu.memory_space<vmem_shared>> -> memref<10240x64xf32, #tpu.memory_space<vmem_shared>>
    %dma_wait3A_296 = tpu.memref_slice %arg11[%dma_wait3A_285] : memref<5x!tpu.dma_semaphore, #tpu.memory_space<semaphore_mem>> -> memref<1x!tpu.dma_semaphore, #tpu.memory_space<semaphore_mem>>
    %dma_wait3A_297 = tpu.memref_squeeze %dma_wait3A_296 : memref<1x!tpu.dma_semaphore, #tpu.memory_space<semaphore_mem>> -> memref<!tpu.dma_semaphore, #tpu.memory_space<semaphore_mem>>
    tpu.wait_indirect_dma semaphore(%dma_wait3A_297 : memref<!tpu.dma_semaphore, #tpu.memory_space<semaphore_mem>>) src(%dma_wait3A_289 : memref<80x64xf32, #tpu.memory_space<vmem>>) dst(%dma_wait3A_295 : memref<10240x64xf32, #tpu.memory_space<vmem_shared>>)
    %barrier3A_298 = arith.constant 0 : index
    tpu.barrier barrier_id(%barrier3A_298)
    "tpu.region"() ({
      %run_scoped3A = tpu.sem_alloc : memref<!tpu.dma_semaphore, #tpu.memory_space<semaphore_mem>>
      %dma_start3A_299 = arith.constant 0 : i32
      %dma_start3A_300 = arith.constant 0 : i32
      %dma_start3A_301 = tpu.memref_slice %arg5[%arg0, %dma_start3A_299, %dma_start3A_300] : memref<2x10240x64xf32, #tpu.memory_space<hbm>> -> memref<1x10240x64xf32, #tpu.memory_space<hbm>>
      %dma_start3A_302 = tpu.memref_squeeze %dma_start3A_301 : memref<1x10240x64xf32, #tpu.memory_space<hbm>> -> memref<10240x64xf32, #tpu.memory_space<hbm>>
      %dma_start3A_303 = arith.constant 0 : i32
      %dma_start3A_304 = tpu.memref_slice %dma_start3A_302[%mul3A_0, %dma_start3A_303] : memref<10240x64xf32, #tpu.memory_space<hbm>> -> memref<640x64xf32, #tpu.memory_space<hbm>>
      %dma_start3A_305 = arith.constant 0 : i32
      %dma_start3A_306 = tpu.memref_slice %arg9[%mul3A_0, %dma_start3A_305] : memref<10240x64xf32, #tpu.memory_space<vmem_shared>> -> memref<640x64xf32, #tpu.memory_space<vmem_shared>>
      tpu.enqueue_dma source(%dma_start3A_306 : memref<640x64xf32, #tpu.memory_space<vmem_shared>>) target(%dma_start3A_304 : memref<640x64xf32, #tpu.memory_space<hbm>>) target_semaphore(%run_scoped3A : memref<!tpu.dma_semaphore, #tpu.memory_space<semaphore_mem>>)
      %dma_wait3A_307 = arith.constant 0 : i32
      %dma_wait3A_308 = arith.constant 0 : i32
      %dma_wait3A_309 = tpu.memref_slice %arg5[%arg0, %dma_wait3A_307, %dma_wait3A_308] : memref<2x10240x64xf32, #tpu.memory_space<hbm>> -> memref<1x10240x64xf32, #tpu.memory_space<hbm>>
      %dma_wait3A_310 = tpu.memref_squeeze %dma_wait3A_309 : memref<1x10240x64xf32, #tpu.memory_space<hbm>> -> memref<10240x64xf32, #tpu.memory_space<hbm>>
      %dma_wait3A_311 = arith.constant 0 : i32
      %dma_wait3A_312 = tpu.memref_slice %dma_wait3A_310[%mul3A_0, %dma_wait3A_311] : memref<10240x64xf32, #tpu.memory_space<hbm>> -> memref<640x64xf32, #tpu.memory_space<hbm>>
      %dma_wait3A_313 = arith.constant 0 : i32
      %dma_wait3A_314 = tpu.memref_slice %arg9[%mul3A_0, %dma_wait3A_313] : memref<10240x64xf32, #tpu.memory_space<vmem_shared>> -> memref<640x64xf32, #tpu.memory_space<vmem_shared>>
      tpu.wait_dma2 semaphore(%run_scoped3A : memref<!tpu.dma_semaphore, #tpu.memory_space<semaphore_mem>>) src(%dma_wait3A_314 : memref<640x64xf32, #tpu.memory_space<vmem_shared>>) dst(%dma_wait3A_312 : memref<640x64xf32, #tpu.memory_space<hbm>>)
      tpu.yield
    }) : () -> ()
    return
  }
}

module attributes {stable_mosaic.version = 14 : i64} {
  func.func @body(%arg0: memref<10000x128xf32, #tpu.memory_space<vmem>>, %arg1: memref<2x10240x64xf32, #tpu.memory_space<vmem>>, %arg2: memref<10000x1xi32, #tpu.memory_space<vmem>>, %arg3: memref<128x128xf32, #tpu.memory_space<vmem>>, %arg4: memref<1x128xf32, #tpu.memory_space<vmem>>, %arg5: memref<1x128xf32, #tpu.memory_space<vmem>>, %arg6: memref<1x1xf32, #tpu.memory_space<vmem>>, %arg7: memref<64x1xf32, #tpu.memory_space<vmem>>) attributes {dimension_semantics = [], scalar_prefetch = 0 : i64, scratch_operands = 0 : i64, tpu.core_type = #tpu.core_type<tc>} {
    %get3A = arith.constant 0 : index
    %get3A_0 = arith.constant 0 : index
    %get3A_1 = vector.load %arg3[%get3A, %get3A_0] : memref<128x128xf32, #tpu.memory_space<vmem>>, vector<128x128xf32>
    %get3A_2 = arith.constant 0 : index
    %get3A_3 = arith.constant 0 : index
    %get3A_4 = vector.load %arg0[%get3A_2, %get3A_3] : memref<10000x128xf32, #tpu.memory_space<vmem>>, vector<10000x128xf32>
    %dot_general3A = arith.constant dense<0.000000e+00> : vector<10000x128xf32>
    %dot_general3A_5 = tpu.matmul %get3A_4, %get3A_1, %dot_general3A {dimension_numbers = #tpu.dot_dimension_numbers<[1], [0], [0], [1], [0, 0, 1, 1], [], []>, transpose_lhs_hint = false} : vector<10000x128xf32>, vector<128x128xf32>, vector<10000x128xf32> -> vector<10000x128xf32>
    %get3A_6 = arith.constant 0 : index
    %get3A_7 = arith.constant 0 : index
    %get3A_8 = arith.constant 0 : index
    %get3A_9 = vector.load %arg1[%get3A_6, %get3A_7, %get3A_8] : memref<2x10240x64xf32, #tpu.memory_space<vmem>>, vector<1x10000x64xf32>
    %get3A_10 = vector.shape_cast %get3A_9 : vector<1x10000x64xf32> to vector<10000x64xf32>
    %slice3A = vector.extract_strided_slice %get3A_1 {offsets = [0, 0], sizes = [64, 128], strides = [1, 1]} : vector<128x128xf32> to vector<64x128xf32>
    %dot_general3A_11 = arith.constant dense<0.000000e+00> : vector<10000x128xf32>
    %dot_general3A_12 = tpu.matmul %get3A_10, %slice3A, %dot_general3A_11 {dimension_numbers = #tpu.dot_dimension_numbers<[1], [0], [0], [1], [0, 0, 1, 1], [], []>, transpose_lhs_hint = false} : vector<10000x64xf32>, vector<64x128xf32>, vector<10000x128xf32> -> vector<10000x128xf32>
    %add3A = arith.addf %dot_general3A_5, %dot_general3A_12 : vector<10000x128xf32>
    %get3A_13 = arith.constant 1 : index
    %get3A_14 = arith.constant 0 : index
    %get3A_15 = arith.constant 0 : index
    %get3A_16 = vector.load %arg1[%get3A_13, %get3A_14, %get3A_15] : memref<2x10240x64xf32, #tpu.memory_space<vmem>>, vector<1x10000x64xf32>
    %get3A_17 = vector.shape_cast %get3A_16 : vector<1x10000x64xf32> to vector<10000x64xf32>
    %slice3A_18 = vector.extract_strided_slice %get3A_1 {offsets = [64, 0], sizes = [64, 128], strides = [1, 1]} : vector<128x128xf32> to vector<64x128xf32>
    %dot_general3A_19 = arith.constant dense<0.000000e+00> : vector<10000x128xf32>
    %dot_general3A_20 = tpu.matmul %get3A_17, %slice3A_18, %dot_general3A_19 {dimension_numbers = #tpu.dot_dimension_numbers<[1], [0], [0], [1], [0, 0, 1, 1], [], []>, transpose_lhs_hint = false} : vector<10000x64xf32>, vector<64x128xf32>, vector<10000x128xf32> -> vector<10000x128xf32>
    %add3A_21 = arith.addf %add3A, %dot_general3A_20 : vector<10000x128xf32>
    %get3A_22 = arith.constant 0 : index
    %get3A_23 = arith.constant 0 : index
    %get3A_24 = vector.load %arg4[%get3A_22, %get3A_23] : memref<1x128xf32, #tpu.memory_space<vmem>>, vector<1x128xf32>
    %add3A_25 = vector.broadcast %get3A_24 : vector<1x128xf32> to vector<10000x128xf32>
    %add3A_26 = arith.addf %add3A_21, %add3A_25 : vector<10000x128xf32>
    %max3A = arith.constant 0.000000e+00 : f32
    %max3A_27 = vector.broadcast %max3A : f32 to vector<10000x128xf32>
    %max3A_28 = arith.maximumf %add3A_26, %max3A_27 : vector<10000x128xf32>
    %get3A_29 = arith.constant 0 : index
    %get3A_30 = arith.constant 0 : index
    %get3A_31 = vector.load %arg5[%get3A_29, %get3A_30] : memref<1x128xf32, #tpu.memory_space<vmem>>, vector<1x128xf32>
    %mul3A = vector.broadcast %get3A_31 : vector<1x128xf32> to vector<10000x128xf32>
    %mul3A_32 = arith.mulf %max3A_28, %mul3A : vector<10000x128xf32>
    %reduce_sum3A = arith.constant dense<0.000000e+00> : vector<10000xf32>
    %reduce_sum3A_33 = vector.multi_reduction <add>, %mul3A_32, %reduce_sum3A [1] : vector<10000x128xf32> to vector<10000xf32>
    %broadcast_in_dim3A = vector.shape_cast %reduce_sum3A_33 : vector<10000xf32> to vector<10000x1xf32>
    %iota3A = tpu.iota {dimensions = array<i32: 1>} : vector<1x64xi32>
    %get3A_34 = arith.constant 0 : index
    %get3A_35 = arith.constant 0 : index
    %get3A_36 = vector.load %arg2[%get3A_34, %get3A_35] : memref<10000x1xi32, #tpu.memory_space<vmem>>, vector<10000x1xi32>
    %eq3A = vector.broadcast %get3A_36 : vector<10000x1xi32> to vector<10000x64xi32>
    %eq3A_37 = vector.broadcast %iota3A : vector<1x64xi32> to vector<10000x64xi32>
    %eq3A_38 = arith.cmpi eq, %eq3A, %eq3A_37 : vector<10000x64xi32>
    %jit3A = arith.constant 0.000000e+00 : f32
    %broadcast_in_dim3A_39 = vector.shape_cast %broadcast_in_dim3A : vector<10000x1xf32> to vector<10000x1xf32>
    %broadcast_in_dim3A_40 = vector.broadcast %broadcast_in_dim3A_39 : vector<10000x1xf32> to vector<10000x64xf32>
    %broadcast_in_dim3A_41 = vector.broadcast %jit3A : f32 to vector<10000x64xf32>
    %select_n3A = arith.select %eq3A_38, %broadcast_in_dim3A_40, %broadcast_in_dim3A_41 : vector<10000x64xi1>, vector<10000x64xf32>
    %reduce_sum3A_42 = arith.constant dense<0.000000e+00> : vector<64xf32>
    %reduce_sum3A_43 = vector.multi_reduction <add>, %select_n3A, %reduce_sum3A_42 [0] : vector<10000x64xf32> to vector<64xf32>
    %broadcast_in_dim3A_44 = vector.shape_cast %reduce_sum3A_43 : vector<64xf32> to vector<64x1xf32>
    %get3A_45 = arith.constant 0 : index
    %get3A_46 = arith.constant 0 : index
    %get3A_47 = vector.load %arg6[%get3A_45, %get3A_46] : memref<1x1xf32, #tpu.memory_space<vmem>>, vector<1x1xf32>
    %get3A_48 = vector.extract %get3A_47[0, 0] : f32 from vector<1x1xf32>
    %add3A_49 = vector.broadcast %get3A_48 : f32 to vector<64x1xf32>
    %add3A_50 = arith.addf %broadcast_in_dim3A_44, %add3A_49 : vector<64x1xf32>
    %swap3A = arith.constant 0 : index
    %swap3A_51 = arith.constant 0 : index
    %swap3A_52 = vector.load %arg7[%swap3A, %swap3A_51] : memref<64x1xf32, #tpu.memory_space<vmem>>, vector<64x1xf32>
    tpu.vector_store %arg7[%swap3A, %swap3A_51], %add3A_50 {strides = array<i32>} : memref<64x1xf32, #tpu.memory_space<vmem>>, vector<64x1xf32>,
    return
  }
}

</mosaic_0001>

<sc_bundles>
// kernel: kernel.4.cloned.1.call-start
scs
__scs_entry_jumppad:
0x0: {  	(pc) =	sbr.rel $0x88, $3  }
0x1: {  	(tag) =	ssettag $0x0;
	lr =	simm.s32 $0x1  }
0x2: {  	[smem:$0x3F9A] =	sst lr;
	_ =	strace $0xD0000000  }
0x3: {  	_ = 	snop  }
0x4: {  	_ = 	snop  }
0x5: {  	_ = 	snop  }
0x6: {  	_ = 	snop  }
0x7: {  	_ = 	snop  }
__scs_overlays_trampoline_lowered:
0x8: {  	[smem:$0x3FA9] =	sst s0  }
0x9: {  	[smem:$0x3FAA] =	sst s1  }
0xa: {  	[smem:$0x3FAB] =	sst s2  }
0xb: {  	[smem:$0x3FAC] =	sst s3  }
0xc: {  	[smem:$0x3FAD] =	sst s4  }
0xd: {  	[smem:$0x3FAE] =	sst s5  }
0xe: {  	[smem:$0x3FAF] =	sst s6  }
0xf: {  	[smem:$0x3FB0] =	sst s7  }
0x10: {  	[smem:$0x3FB1] =	sst s8  }
0x11: {  	[smem:$0x3FB2] =	sst s9;
	s0 =	simm.s32 @!p0 $0x0  }
0x12: {  	s1 =	sld [smem:$0x3F98];
	s0 =	simm.s32 @p0 $0x1  }
0x13: {  	[smem:$0x3FB3] =	sst s0;
	s0 =	simm.s32 @!p1 $0x0  }
0x14: {  	s2 =	sld [smem:$0x3F97];
	s0 =	simm.s32 @p1 $0x1  }
0x15: {  	[smem:$0x3FB4] =	sst s0;
	s0 =	simm.s32 @!p2 $0x0  }
0x16: {  	s3 =	sld [smem:$0x3FDB];
	s0 =	simm.s32 @p2 $0x1  }
0x17: {  	s4 =	simm.s32 $0x1BF5;
	[smem:$0x3FB6] =	sst s0  }
0x18: {  	s0 =	sld [smem:$0x3F99];
	_ =	swait.ge [sflag:s4], $0x0  }
0x19: {  	s7 =	sld [smem:$0x3F9A]  }
0x1a: {  	s8 =	sadd.s32 $0xFFFFE003, lr  }
0x1b: {  	s9 =	sadd.s32 $0xFFFFFEF7, lr;
	s5 =	simm.s32 $0xFFFFFFFF;
	p2 =	slt.u32 s8, $0xFFFFF086  }
0x1c: {  	p1 =	slt.u32 s9, $0xF7A;
	s5 =	simm.s32 @!p2 $0x0  }
0x1d: {  	s5 =	simm.s32 @p1 $0x1;
	p0 =	seq.s32 s7, s2  }
0x1e: {  	s7 =	smul.u32 @!p0 $0xF7A, s2;
	p2 =	seq.s32 @!p0 s5, $0x0  }
0x1f: {  	s9 =	smul.u32 $0xF7A, s1;
	s8 =	simm.s32 @!p0 $0x1BF5;
	p2 =	por !p2, p0  }
0x20: {  	[sflag:s8] =	ssyncset.s32 @!p0 $0xFFFFF086;
	s6 =	sadd.s32 @!p0 s3, s7;
	s7 =	simm.s32 @!p0 $0x108  }
0x21: {  	s3 =	sadd.s32 s3, s9;
	s6 =	sadd.s32 @!p0 $0x88, s6;
	s7 =	simm.s32 @p2 $0x1082  }
0x22: {  	[simem:s7], [sflag:s8] =	dma.local @!p0 [hbm:s6], $0xF7A  }
0x23: {  	s9 =	sor.u32 $0xD0000000, s2;
	s6 =	simm.s32 $0x108;
	_ =	swait.ge @!p0 [sflag:s8], $0x0  }
0x24: {  	s3 =	sadd.s32 $0x88, s3;
	s6 =	simm.s32 @!p1 $0x1082;
	[sflag:s4] =	ssyncset.s32 $0xFFFFF086  }
0x25: {  	[simem:s6], [sflag:s4] =	dma.local [hbm:s3], $0xF7A  }
0x26: {  	[smem:$0x3F9A] =	sst s1;
	(tag) =	ssettag s2;
	_ =	strace s9  }
0x27: {  	s1 =	sld [smem:$0x3FAA]  }
0x28: {  	s2 =	sld [smem:$0x3FAB]  }
0x29: {  	s4 =	sld [smem:$0x3FAD]  }
0x2a: {  	p0 =	seq.s32 s5, $0x0;
	s5 =	sld [smem:$0x3FAE]  }
0x2b: {  	s6 =	sld [smem:$0x3FAF]  }
0x2c: {  	s7 =	sld [smem:$0x3FB0]  }
0x2d: {  	s3 =	simm.s32 $0x108;
	s8 =	sld [smem:$0x3FB1]  }
0x2e: {  	s3 =	simm.s32 @!p0 $0x1082;
	s9 =	sld [smem:$0x3FB2]  }
0x2f: {  	lr =	sadd.s32 s0, s3;
	s0 =	sld [smem:$0x3FA9]  }
0x30: {  	s3 =	sld [smem:$0x3FAC]  }
0x31: {  	[smem:$0x3FB5] =	sst s10  }
0x32: {  	s10 =	sld [smem:$0x3FB3];
	_ =	sdelay $0x3  }
0x33: {  	p0 =	seq.s32 s10, $0x1;
	s10 =	sld [smem:$0x3FB5];
	_ =	sdelay $0x3  }
0x34: {  	[smem:$0x3FB5] =	sst s10  }
0x35: {  	s10 =	sld [smem:$0x3FB4];
	_ =	sdelay $0x3  }
0x36: {  	p1 =	seq.s32 s10, $0x1;
	s10 =	sld [smem:$0x3FB5];
	_ =	sdelay $0x3  }
0x37: {  	[smem:$0x3FB5] =	sst s10  }
0x38: {  	s10 =	sld [smem:$0x3FB6]  }
0x39: {  	_ = 	snop;
	(pc) =	sbr.ind lr, $3  }
0x3a: {  	_ = 	snop  }
0x3b: {  	_ = 	snop  }
0x3c: {  	p2 =	seq.s32 s10, $0x1;
	s10 =	sld [smem:$0x3FB5]  }
0x3d: {  	_ =	shalt  }
0x3e: {  	_ =	shalt  }
0x3f: {  	_ =	shalt  }
0x40: {  	_ =	shalt  }
0x41: {  	_ =	shalt  }
0x42: {  	_ =	shalt  }
0x43: {  	_ =	shalt  }
0x44: {  	_ =	shalt  }
0x45: {  	_ =	shalt  }
0x46: {  	_ =	shalt  }
0x47: {  	_ =	shalt  }
0x48: {  	_ =	shalt  }
0x49: {  	_ =	shalt  }
0x4a: {  	_ =	shalt  }
0x4b: {  	_ =	shalt  }
0x4c: {  	_ =	shalt  }
0x4d: {  	_ =	shalt  }
0x4e: {  	_ =	shalt  }
0x4f: {  	_ =	shalt  }
0x50: {  	_ =	shalt  }
0x51: {  	_ =	shalt  }
0x52: {  	_ =	shalt  }
0x53: {  	_ =	shalt  }
0x54: {  	_ =	shalt  }
0x55: {  	_ =	shalt  }
0x56: {  	_ =	shalt  }
0x57: {  	_ =	shalt  }
0x58: {  	_ =	shalt  }
0x59: {  	_ =	shalt  }
0x5a: {  	_ =	shalt  }
0x5b: {  	_ =	shalt  }
0x5c: {  	_ =	shalt  }
0x5d: {  	_ =	shalt  }
0x5e: {  	_ =	shalt  }
0x5f: {  	_ =	shalt  }
0x60: {  	_ =	shalt  }
0x61: {  	_ =	shalt  }
0x62: {  	_ =	shalt  }
0x63: {  	_ =	shalt  }
0x64: {  	_ =	shalt  }
0x65: {  	_ =	shalt  }
0x66: {  	_ =	shalt  }
0x67: {  	_ =	shalt  }
0x68: {  	_ =	shalt  }
0x69: {  	_ =	shalt  }
0x6a: {  	_ =	shalt  }
0x6b: {  	_ =	shalt  }
0x6c: {  	_ =	shalt  }
0x6d: {  	_ =	shalt  }
0x6e: {  	_ =	shalt  }
0x6f: {  	_ =	shalt  }
0x70: {  	_ =	shalt  }
0x71: {  	_ =	shalt  }
0x72: {  	_ =	shalt  }
0x73: {  	_ =	shalt  }
0x74: {  	_ =	shalt  }
0x75: {  	_ =	shalt  }
0x76: {  	_ =	shalt  }
0x77: {  	_ =	shalt  }
0x78: {  	_ =	shalt  }
0x79: {  	_ =	shalt  }
0x7a: {  	_ =	shalt  }
0x7b: {  	_ =	shalt  }
0x7c: {  	_ =	shalt  }
0x7d: {  	_ =	shalt  }
0x7e: {  	_ =	shalt  }
0x7f: {  	_ =	shalt  }
0x80: {  	_ =	shalt  }
0x81: {  	_ =	shalt  }
0x82: {  	_ =	shalt  }
0x83: {  	_ =	shalt  }
0x84: {  	_ =	shalt  }
0x85: {  	_ =	shalt  }
0x86: {  	_ =	shalt  }
0x87: {  	_ =	shalt  }
.Lfunc_end0:
.L_simem_size_0:
called_computation_lowered:
.L_overlay_start_0:
0x88: {  	s2 =	sld [smem:$0x3FD9]  }
0x89: {  	s3 =	sld [smem:$0x3FFE];
	_ =	sdelay $0x1  }
0x8a: {  	s1 =	srdreg.scid  }
0x8b: {  	s0 =	sand.u32 $0x1, s1  }
0x8c: {  	s17 =	sshll.u32 s0, $0xA;
	s2 =	sadd.s32 s3, s2  }
0x8d: {  	s2 =	sadd.s32 s2, s17  }
0x8e: {  	[smem:$0x3FC1] =	sst s2  }
0x8f: {  	_ = 	snop  }
0x90: {  	s2 =	sld [smem:$0x3FC9];
	(tm) =	ssettm $0x1  }
0x91: {  	s18 =	sld [smem:$0x3FFB];
	_ =	sdelay $0x3  }
0x92: {  	_ =	strace s18  }
0x93: {  	s3 =	sld [smem:$0x3FFC];
	_ =	sdelay $0x3  }
0x94: {  	_ =	strace s3  }
0x95: {  	s3 =	sld [smem:$0x3FFD];
	_ =	sdelay $0x3  }
0x96: {  	_ =	strace s3  }
0x97: {  	_ =	strace $0x8FFFFFFF  }
0x98: {  	s19 =	sld [smem:$0x3FDB];
	_ =	sdelay $0x1  }
0x99: {  	s4 =	simm.s32 $_scs_section_size  }
0x9a: {  	s5 =	simm.s32 $_size__tile_overlayer_lowered;
	s6 =	simm.s32 $_tile_overlayer_lowered  }
0x9b: {  	s22 =	simm.s32 $0x1BFF;
	s21 =	sshll.u32 s6, $0x1;
	s3 =	sadd.s32 s4, s19  }
0x9c: {  	s7 =	simm.s32 $0x0;
	s20 =	sshll.u32 s5, $0x1;
	s5 =	sadd.s32 s21, s3  }
0x9d: {  	[timem:s7], [sflag:s22] =	dma.local [hbm:s5], s20  }
0x9e: {  	_ =	swait.ge [sflag:s22], s20  }
0x9f: {  	s4 =	ssub.s32 $0x0, s20;
	[sflag:s22] =	ssyncset.done $0x0  }
0xa0: {  	[sflag:s22] =	ssyncadd.s32 s4;
	_ =	sdelay $0x1  }
0xa1: {  	s23 =	simm.s32 $0x1B8B  }
0xa2: {  	_ =	swait.ge [sflag:s23], $0x1  }
0xa3: {  	[sflag:s23] =	ssyncset.done $0x0  }
0xa4: {  	s25 =	simm.s32 $0x1B8E;
	s24 =	sld [smem:$0x3FFE];
	[sflag:s23] =	ssyncadd.s32 $0xFFFFFFFF  }
0xa5: {  	s26 =	simm.s32 $execute0_lowered;
	[smem:$0x3FD2] =	sst s25  }
0xa6: {  	s5 =	sshll.u32 s26, $0x1;
	_ =	strace $0x80000046;
	[dreg:$0x1] =	wrdreg $0xFFFFFFFF  }
0xa7: {  	s28 =	simm.s32 $_size_execute0_lowered;
	s3 =	sadd.s32 s3, s5;
	[dreg:$0x0] =	wrdreg $0x0  }
0xa8: {  	s5 =	sshll.u32 s28, $0x1;
	[dreg:$0x2] =	wrdreg s3  }
0xa9: {  	[dreg:$0x3] =	wrdreg s5  }
0xaa: {  	[dreg:$0x4] =	wrdreg $0xC0  }
0xab: {  	_ =	task [dreg:s7], $0x5FFFF  }
0xac: {  	[dreg:$0x1] =	wrdreg $0xFFFFFFFF  }
0xad: {  	[dreg:$0x0] =	wrdreg $0x60  }
0xae: {  	[dreg:$0x2] =	wrdreg s2  }
0xaf: {  	[dreg:$0x3] =	wrdreg s24  }
0xb0: {  	[dreg:$0x4] =	wrdreg $0x100400  }
0xb1: {  	[dreg:$0x5] =	wrdreg $0x9  }
0xb2: {  	_ =	task.clear_ibuf [dreg:s7], $0x6FFFF;
	_ =	strace $0x90000046  }
0xb3: {  	s29 =	simm.s32 $0x9;
	_ =	strace $0x80000048  }
0xb4: {  	_ =	swait.ge [sflag:s29], $0x1  }
0xb5: {  	[sflag:s29] =	ssyncadd.s32 $0xFFFFFFFF  }
0xb6: {  	_ =	strace $0x90000048  }
0xb7: {  	_ =	sfence  }
0xb8: {  	s30 =	sld [smem:$0x0];
	_ =	sdelay $0x2  }
0xb9: {  	s31 =	sshll.u32 s1, $0xD;
	s1 =	sshrl.u32 s1, $0x2  }
0xba: {  	s3 =	sand.u32 $0x4000, s31;
	s1 =	sadd.s32 s1, s30  }
0xbb: {  	s0 =	sor.u32 s3, s0;
	s1 =	sshll.u32 s1, $0x11  }
0xbc: {  	s0 =	sor.u32 s1, s0  }
0xbd: {  	s0 =	sadd.s32 $0x8F2B, s0  }
0xbe: {  	[sflag:s0] =	ssyncadd.remote.s32 $0x1  }
0xbf: {  	_ =	sfence.sel $0xFFFF  }
0xc0: {  	[dreg:$0x0] =	wrdreg $0xFFFFFFFF;
	(pc) =	sbr.abs _section_cstart, $3  }
0xc1: {  	[dreg:$0x1] =	wrdreg $0xFFFFFFFF  }
0xc2: {  	_ =	task.clear_ibuf [dreg:s7], $0x2FFFF;
	_ =	strace $0x9FFFFFFF  }
0xc3: {  	(tm) =	ssettm $0x7FFFFFFF  }
tec
execute0_lowered:
.L_overlay_start_1:
0x0: {  	(tag) =	ssettag $0x1  }
0x1: {  	s1 =	rddreg [dreg:$0x0]  }
0x2: {  	s0 =	rddreg [dreg:$0x1]  }
0x3: {  	s3 =	rddreg [dreg:$0x2];
	s4 =	simm.s32 $0x0  }
0x4: {  	s8 =	stileid.u32;
	s2 =	srdreg.scid;
	s16 =	simm.s32 $0xB  }
0x5: {  	s18 =	simm.s32 $0x9C40;
	s19 =	simm.s32 $0x50;
	s29 =	simm.s32 $0xEC40  }
0x6: {  	s30 =	simm.s32 $0x1;
	s31 =	simm.s32 $0x2;
	s20 =	smul.u32 $0x9C4, s8  }
0x7: {  	s17 =	simm.s32 $0x4;
	s28 =	simm.s32 $0x8;
	s7 =	smul.u32 $0xA000, s8  }
0x8: {  	[smem:$0x7FF] =	sst s4;
	s6 =	sand.u32 $0x1, s2;
	s8 =	smul.u32 $0x28000, s8  }
0x9: {  	_ =	strace $0x80000047;
	s2 =	smul.u32 $0x14000, s6;
	s5 =	ssub.s32 $0x2, s6  }
0xa: {  	v0 =	vmov s6;
	s6 =	simm.s32 $0x0;
	s4 =	sadd.s32 s20, s0;
	s21 =	sshrl.u32 s5, $0x1  }
0xb: {  	s23 =	sshrl.u32 s7, $0x3;
	s24 =	sshrl.u32 s8, $0x2;
	s7 =	sadd.s32 s7, s3  }
0xc: {  	s20 =	simm.s32 $0xB040;
	s0 =	sadd.s32 s2, s0;
	s2 =	ssub.s32 s5, s21  }
0xd: {  	s22 =	sadd.s32 $0xAA00, s4;
	s4 =	sadd.s32 $0xC00, s4;
	s8 =	sadd.s32 s24, s3  }
0xe: {  	s24 =	sshrl.u32 s7, $0x3;
	s21 =	simm.s32 $0x5;
	[dreg:$0x4] =	wrdreg s22  }
0xf: {  	s5 =	simm.s32 $0xA;
	[dreg:$0x5] =	wrdreg s4;
	s0 =	sadd.s32 $0x14800, s0  }
0x10: {  	s2 =	smax.u32 s2, $0x1;
	s25 =	sadd.s32 $0x1400, s8;
	s26 =	sadd.s32 $0x2800, s8  }
0x11: {  	s11 =	sadd.s32 $0x3C00, s8;
	s12 =	sadd.s32 $0x5000, s8;
	[dreg:$0x6] =	wrdreg s2  }
0x12: {  	s13 =	sadd.s32 $0x6400, s8;
	s14 =	sadd.s32 $0x7800, s8;
	[dreg:$0x7] =	wrdreg s25  }
0x13: {  	s15 =	sadd.s32 $0x8C00, s8;
	s4 =	simm.s32 $0x9;
	[dreg:$0x8] =	wrdreg s26  }
0x14: {  	s22 =	sadd.s32 s23, s0;
	s23 =	simm.s32 $0xC440;
	s26 =	simm.s32 $0xD840  }
0x15: {  	v1 =	vimm.f32 $0.0e+00;
	s0 =	simm.s32 $0x3;
	s2 =	simm.s32 $0x6;
	s25 =	simm.s32 $0x7  }
.LBB2_1:
0x16: {  	s7 =	simm.s32 $0x0;
	s9 =	rddreg [dreg:$0x4]  }
0x17: {  	[tilespmem:s7], [sflag:$0xB] =	stream.linear.gather [hbm4b:s9+s7], $0x4E20, $0x38;
	[tilespmem:$0x1A040] =	vst v63  }
0x18: {  	_ =	swait.ge [sflag:s16], $0x4E20  }
0x19: {  	[sflag:s16] =	ssyncset.done $0x0  }
0x1a: {  	s10 =	simm.s32 $0x4E20;
	s9 =	rddreg [dreg:$0x5];
	[sflag:s16] =	ssyncadd.s32 $0xFFFFB1E0  }
0x1b: {  	[tilespmem:s10], [sflag:$0xB] =	stream.linear.gather [hbm4b:s9+s7], $0x4E20, $0x38;
	[tilespmem:$0x1A040] =	vst v63  }
0x1c: {  	_ =	swait.ge [sflag:s16], $0x4E20  }
0x1d: {  	[sflag:s16] =	ssyncset.done $0x0  }
0x1e: {  	s7 =	simm.s32 $0x0;
	s9 =	simm.s32 $0x40;
	[sflag:s16] =	ssyncadd.s32 $0xFFFFB1E0  }
.LBB2_2:
0x1f: {  	p0 =	sne.s32 s9, $0x13840;
	v2 =	vld [tilespmem:s7+$0x0];
	_ =	sdelay $0x2  }
.Ltmp0:
0x20: {  	(pc) =	sbr.rel @p0 .LBB2_2-.Ltmp0, $4  }
0x21: {  	_ = 	snop  }
0x22: {  	v2 =	vshll.u32 v2, $0x1  }
0x23: {  	v2 =	vor.u32 v0, v2  }
0x24: {  	[tilespmem:s7+$0x0] =	vst v2;
	s7 =	sshra.s32 s9, $0x2;
	s9 =	sadd.s32 $0x40, s9  }
0x25: {  	v2 =	vld [tilespmem:s7+$0x0];
	_ =	sdelay $0x4  }
0x26: {  	v2 =	vshll.u32 v2, $0x1  }
0x27: {  	v2 =	vor.u32 v0, v2  }
0x28: {  	s9 =	simm.s32 $0x100;
	[tilespmem:s7+$0x0] =	vst v2;
	s7 =	simm.s32 $0x0  }
.LBB2_4:
0x29: {  	p0 =	sne.s32 s9, $0x4F00;
	[tilespmem:s7+$0x9C70] =	vst v1;
	s10 =	smov.u32 s9;
	s9 =	sadd.s32 $0x100, s9  }
.Ltmp1:
0x2a: {  	[tilespmem:s7+$0x9C60] =	vst v1;
	(pc) =	sbr.rel @p0 .LBB2_4-.Ltmp1, $3  }
0x2b: {  	[tilespmem:s7+$0x9C40] =	vst v1  }
0x2c: {  	[tilespmem:s7+$0x9C50] =	vst v1;
	_ =	sdelay $0x1  }
0x2d: {  	s7 =	sshra.s32 s10, $0x2  }
0x2e: {  	[tilespmem:s7+$0x9C70] =	vst v1  }
0x2f: {  	[tilespmem:s7+$0x9C60] =	vst v1  }
0x30: {  	[tilespmem:s7+$0x9C40] =	vst v1  }
0x31: {  	[tilespmem:s7+$0x9C50] =	vst v1  }
0x32: {  	[spmem:s8] =	stream.linear.scatter [tilespmem:s18], [sflag:$0xB], $0x1400, $0x38;
	[tilespmem:$0x1A040] =	vst v63  }
0x33: {  	_ =	swait.ge [sflag:s16], $0x1400  }
0x34: {  	[sflag:s16] =	ssyncset.done $0x0  }
0x35: {  	s10 =	rddreg [dreg:$0x7];
	[sflag:s16] =	ssyncadd.s32 $0xFFFFEC00  }
0x36: {  	[spmem:s10] =	stream.linear.scatter [tilespmem:s18], [sflag:$0xB], $0x1400, $0x38;
	[tilespmem:$0x1A040] =	vst v63  }
0x37: {  	_ =	swait.ge [sflag:s16], $0x1400  }
0x38: {  	[sflag:s16] =	ssyncset.done $0x0  }
0x39: {  	s9 =	rddreg [dreg:$0x8];
	[sflag:s16] =	ssyncadd.s32 $0xFFFFEC00  }
0x3a: {  	[spmem:s9] =	stream.linear.scatter [tilespmem:s18], [sflag:$0xB], $0x1400, $0x38;
	[tilespmem:$0x1A040] =	vst v63  }
0x3b: {  	_ =	swait.ge [sflag:s16], $0x1400  }
0x3c: {  	[sflag:s16] =	ssyncset.done $0x0  }
0x3d: {  	[sflag:s16] =	ssyncadd.s32 $0xFFFFEC00  }
0x3e: {  	[spmem:s11] =	stream.linear.scatter [tilespmem:s18], [sflag:$0xB], $0x1400, $0x38;
	[tilespmem:$0x1A040] =	vst v63  }
0x3f: {  	_ =	swait.ge [sflag:s16], $0x1400  }
0x40: {  	[sflag:s16] =	ssyncset.done $0x0  }
0x41: {  	[sflag:s16] =	ssyncadd.s32 $0xFFFFEC00  }
0x42: {  	[spmem:s12] =	stream.linear.scatter [tilespmem:s18], [sflag:$0xB], $0x1400, $0x38;
	[tilespmem:$0x1A040] =	vst v63  }
0x43: {  	_ =	swait.ge [sflag:s16], $0x1400  }
0x44: {  	[sflag:s16] =	ssyncset.done $0x0  }
0x45: {  	[sflag:s16] =	ssyncadd.s32 $0xFFFFEC00  }
0x46: {  	[spmem:s13] =	stream.linear.scatter [tilespmem:s18], [sflag:$0xB], $0x1400, $0x38;
	[tilespmem:$0x1A040] =	vst v63  }
0x47: {  	_ =	swait.ge [sflag:s16], $0x1400  }
0x48: {  	[sflag:s16] =	ssyncset.done $0x0  }
0x49: {  	[sflag:s16] =	ssyncadd.s32 $0xFFFFEC00  }
0x4a: {  	[spmem:s14] =	stream.linear.scatter [tilespmem:s18], [sflag:$0xB], $0x1400, $0x38;
	[tilespmem:$0x1A040] =	vst v63  }
0x4b: {  	_ =	swait.ge [sflag:s16], $0x1400  }
0x4c: {  	[sflag:s16] =	ssyncset.done $0x0  }
0x4d: {  	[sflag:s16] =	ssyncadd.s32 $0xFFFFEC00  }
0x4e: {  	[spmem:s15] =	stream.linear.scatter [tilespmem:s18], [sflag:$0xB], $0x1400, $0x38;
	[tilespmem:$0x1A040] =	vst v63  }
0x4f: {  	_ =	swait.ge [sflag:s16], $0x1400  }
0x50: {  	[sflag:s16] =	ssyncset.done $0x0  }
0x51: {  	[sflag:s16] =	ssyncadd.s32 $0xFFFFEC00  }
0x52: {  	s10 =	simm.s32 $0x0;
	[bflag:$0x0] =	sbarrier.arrive $0xFFFF  }
0x53: {  	[tilespmem:s18], [sflag:$0x1] =	stream.indirect.gather [hbm4b:s1+s19], $0x40, s10, s19, $0xb8;
	[tilespmem:$0x1A040] =	vst v63  }
0x54: {  	_ = 	snop  }
0x55: {  	[tilespmem:s20], [sflag:$0x2] =	stream.indirect.gather [hbm4b:s1+s19], $0x40, s19, s19, $0xb8;
	[tilespmem:$0x1A040] =	vst v63  }
0x56: {  	s9 =	simm.s32 $0xA0  }
0x57: {  	[tilespmem:s23], [sflag:$0x3] =	stream.indirect.gather [hbm4b:s1+s19], $0x40, s9, s19, $0xb8;
	[tilespmem:$0x1A040] =	vst v63  }
0x58: {  	s10 =	simm.s32 $0xF0  }
0x59: {  	[tilespmem:s26], [sflag:$0x4] =	stream.indirect.gather [hbm4b:s1+s19], $0x40, s10, s19, $0xb8;
	[tilespmem:$0x1A040] =	vst v63  }
0x5a: {  	s9 =	simm.s32 $0x140  }
0x5b: {  	[tilespmem:s29], [sflag:$0x5] =	stream.indirect.gather [hbm4b:s1+s19], $0x40, s9, s19, $0xb8;
	[tilespmem:$0x1A040] =	vst v63  }
0x5c: {  	_ =	swait.ge [sflag:s30], $0x1400  }
0x5d: {  	[sflag:s30] =	ssyncset.done $0x0  }
0x5e: {  	s10 =	simm.s32 $0x4E20;
	[sflag:s30] =	ssyncadd.s32 $0xFFFFEC00  }
0x5f: {  	[spmem:s3] =	stream.indirect.scatter.add.f32 [tilespmem:s18], [sflag:$0x6], $0x40, s10, s19, $0xb8;
	[tilespmem:$0x1A040] =	vst v63  }
0x60: {  	_ =	swait.ge [sflag:s31], $0x1400  }
0x61: {  	[sflag:s31] =	ssyncset.done $0x0  }
0x62: {  	s9 =	simm.s32 $0x4E70;
	[sflag:s31] =	ssyncadd.s32 $0xFFFFEC00  }
0x63: {  	[spmem:s3] =	stream.indirect.scatter.add.f32 [tilespmem:s20], [sflag:$0x7], $0x40, s9, s19, $0xb8;
	[tilespmem:$0x1A040] =	vst v63  }
0x64: {  	_ =	swait.ge [sflag:s0], $0x1400  }
0x65: {  	[sflag:s0] =	ssyncset.done $0x0  }
0x66: {  	s10 =	simm.s32 $0x4EC0;
	[sflag:s0] =	ssyncadd.s32 $0xFFFFEC00  }
0x67: {  	[spmem:s3] =	stream.indirect.scatter.add.f32 [tilespmem:s23], [sflag:$0x8], $0x40, s10, s19, $0xb8;
	[tilespmem:$0x1A040] =	vst v63  }
0x68: {  	_ =	swait.ge [sflag:s17], $0x1400  }
0x69: {  	[sflag:s17] =	ssyncset.done $0x0  }
0x6a: {  	s9 =	simm.s32 $0x4F10;
	[sflag:s17] =	ssyncadd.s32 $0xFFFFEC00  }
0x6b: {  	[spmem:s3] =	stream.indirect.scatter.add.f32 [tilespmem:s26], [sflag:$0x9], $0x40, s9, s19, $0xb8;
	[tilespmem:$0x1A040] =	vst v63  }
0x6c: {  	_ =	swait.ge [sflag:s21], $0x1400  }
0x6d: {  	[sflag:s21] =	ssyncset.done $0x0  }
0x6e: {  	s10 =	simm.s32 $0x4F60;
	[sflag:s21] =	ssyncadd.s32 $0xFFFFEC00  }
0x6f: {  	[spmem:s3] =	stream.indirect.scatter.add.f32 [tilespmem:s29], [sflag:$0xA], $0x40, s10, s19, $0xb8;
	[tilespmem:$0x1A040] =	vst v63  }
0x70: {  	_ =	swait.ge [sflag:s2], $0x1400  }
0x71: {  	[sflag:s2] =	ssyncset.done $0x0  }
0x72: {  	s9 =	simm.s32 $0x190;
	[sflag:s2] =	ssyncadd.s32 $0xFFFFEC00  }
0x73: {  	[tilespmem:s18], [sflag:$0x1] =	stream.indirect.gather [hbm4b:s1+s19], $0x40, s9, s19, $0xb8;
	[tilespmem:$0x1A040] =	vst v63  }
0x74: {  	_ =	swait.ge [sflag:s25], $0x1400  }
0x75: {  	[sflag:s25] =	ssyncset.done $0x0  }
0x76: {  	s10 =	simm.s32 $0x1E0;
	[sflag:s25] =	ssyncadd.s32 $0xFFFFEC00  }
0x77: {  	[tilespmem:s20], [sflag:$0x2] =	stream.indirect.gather [hbm4b:s1+s19], $0x40, s10, s19, $0xb8;
	[tilespmem:$0x1A040] =	vst v63  }
0x78: {  	_ =	swait.ge [sflag:s28], $0x1400  }
0x79: {  	[sflag:s28] =	ssyncset.done $0x0  }
0x7a: {  	s9 =	simm.s32 $0x230;
	[sflag:s28] =	ssyncadd.s32 $0xFFFFEC00  }
0x7b: {  	[tilespmem:s23], [sflag:$0x3] =	stream.indirect.gather [hbm4b:s1+s19], $0x40, s9, s19, $0xb8;
	[tilespmem:$0x1A040] =	vst v63  }
0x7c: {  	_ =	swait.ge [sflag:s4], $0x1400  }
0x7d: {  	[sflag:s4] =	ssyncset.done $0x0  }
0x7e: {  	s10 =	simm.s32 $0x280;
	[sflag:s4] =	ssyncadd.s32 $0xFFFFEC00  }
0x7f: {  	[tilespmem:s26], [sflag:$0x4] =	stream.indirect.gather [hbm4b:s1+s19], $0x40, s10, s19, $0xb8;
	[tilespmem:$0x1A040] =	vst v63  }
0x80: {  	_ =	swait.ge [sflag:s5], $0x1400  }
0x81: {  	[sflag:s5] =	ssyncset.done $0x0  }
0x82: {  	s7 =	simm.s32 $0x640;
	s9 =	simm.s32 $0x2D0;
	[sflag:s5] =	ssyncadd.s32 $0xFFFFEC00  }
.LBB2_6:
0x83: {  	[tilespmem:s29], [sflag:$0x5] =	stream.indirect.gather [hbm4b:s1+s19], $0x40, s9, s19, $0xb8;
	[tilespmem:$0x1A040] =	vst v63  }
0x84: {  	s9 =	smov.u32 s7  }
0x85: {  	p0 =	sne.s32 s7, $0x12C00;
	s7 =	sadd.s32 $0x640, s7;
	_ =	swait.ge [sflag:s30], $0x1400  }
0x86: {  	s9 =	sshra.s32 s9, $0x2;
	[sflag:s30] =	ssyncset.done $0x0  }
0x87: {  	s10 =	sadd.s32 $0x4E20, s9;
	[sflag:s30] =	ssyncadd.s32 $0xFFFFEC00  }
0x88: {  	[spmem:s3] =	stream.indirect.scatter.add.f32 [tilespmem:s18], [sflag:$0x6], $0x40, s10, s19, $0xb8;
	[tilespmem:$0x1A040] =	vst v63  }
0x89: {  	_ =	swait.ge [sflag:s31], $0x1400  }
0x8a: {  	[sflag:s31] =	ssyncset.done $0x0  }
0x8b: {  	s10 =	sadd.s32 $0x4E70, s9;
	[sflag:s31] =	ssyncadd.s32 $0xFFFFEC00  }
0x8c: {  	[spmem:s3] =	stream.indirect.scatter.add.f32 [tilespmem:s20], [sflag:$0x7], $0x40, s10, s19, $0xb8;
	[tilespmem:$0x1A040] =	vst v63  }
0x8d: {  	_ =	swait.ge [sflag:s0], $0x1400  }
0x8e: {  	[sflag:s0] =	ssyncset.done $0x0  }
0x8f: {  	s10 =	sadd.s32 $0x4EC0, s9;
	[sflag:s0] =	ssyncadd.s32 $0xFFFFEC00  }
0x90: {  	[spmem:s3] =	stream.indirect.scatter.add.f32 [tilespmem:s23], [sflag:$0x8], $0x40, s10, s19, $0xb8;
	[tilespmem:$0x1A040] =	vst v63  }
0x91: {  	_ =	swait.ge [sflag:s17], $0x1400  }
0x92: {  	[sflag:s17] =	ssyncset.done $0x0  }
0x93: {  	s10 =	sadd.s32 $0x4F10, s9;
	[sflag:s17] =	ssyncadd.s32 $0xFFFFEC00  }
0x94: {  	[spmem:s3] =	stream.indirect.scatter.add.f32 [tilespmem:s26], [sflag:$0x9], $0x40, s10, s19, $0xb8;
	[tilespmem:$0x1A040] =	vst v63  }
0x95: {  	_ =	swait.ge [sflag:s21], $0x1400  }
0x96: {  	[sflag:s21] =	ssyncset.done $0x0  }
0x97: {  	s10 =	sadd.s32 $0x4F60, s9;
	[sflag:s21] =	ssyncadd.s32 $0xFFFFEC00  }
0x98: {  	[spmem:s3] =	stream.indirect.scatter.add.f32 [tilespmem:s29], [sflag:$0xA], $0x40, s10, s19, $0xb8;
	[tilespmem:$0x1A040] =	vst v63  }
0x99: {  	_ =	swait.ge [sflag:s2], $0x1400  }
0x9a: {  	[sflag:s2] =	ssyncset.done $0x0  }
0x9b: {  	s10 =	sadd.s32 $0x190, s9;
	[sflag:s2] =	ssyncadd.s32 $0xFFFFEC00  }
0x9c: {  	[tilespmem:s18], [sflag:$0x1] =	stream.indirect.gather [hbm4b:s1+s19], $0x40, s10, s19, $0xb8;
	[tilespmem:$0x1A040] =	vst v63  }
0x9d: {  	_ =	swait.ge [sflag:s25], $0x1400  }
0x9e: {  	[sflag:s25] =	ssyncset.done $0x0  }
0x9f: {  	s10 =	sadd.s32 $0x1E0, s9;
	[sflag:s25] =	ssyncadd.s32 $0xFFFFEC00  }
0xa0: {  	[tilespmem:s20], [sflag:$0x2] =	stream.indirect.gather [hbm4b:s1+s19], $0x40, s10, s19, $0xb8;
	[tilespmem:$0x1A040] =	vst v63  }
0xa1: {  	_ =	swait.ge [sflag:s28], $0x1400  }
0xa2: {  	[sflag:s28] =	ssyncset.done $0x0  }
0xa3: {  	s10 =	sadd.s32 $0x230, s9;
	[sflag:s28] =	ssyncadd.s32 $0xFFFFEC00  }
0xa4: {  	[tilespmem:s23], [sflag:$0x3] =	stream.indirect.gather [hbm4b:s1+s19], $0x40, s10, s19, $0xb8;
	[tilespmem:$0x1A040] =	vst v63  }
0xa5: {  	_ =	swait.ge [sflag:s4], $0x1400  }
0xa6: {  	[sflag:s4] =	ssyncset.done $0x0  }
.Ltmp2:
0xa7: {  	s10 =	sadd.s32 $0x280, s9;
	[sflag:s4] =	ssyncadd.s32 $0xFFFFEC00;
	(pc) =	sbr.rel @p0 .LBB2_6-.Ltmp2, $4  }
0xa8: {  	[tilespmem:s26], [sflag:$0x4] =	stream.indirect.gather [hbm4b:s1+s19], $0x40, s10, s19, $0xb8;
	[tilespmem:$0x1A040] =	vst v63  }
0xa9: {  	_ =	swait.ge [sflag:s5], $0x1400  }
0xaa: {  	[sflag:s5] =	ssyncset.done $0x0  }
0xab: {  	s9 =	sadd.s32 $0x2D0, s9;
	[sflag:s5] =	ssyncadd.s32 $0xFFFFEC00  }
0xac: {  	[tilespmem:s29], [sflag:$0x5] =	stream.indirect.gather [hbm4b:s1+s19], $0x40, s9, s19, $0xb8;
	[tilespmem:$0x1A040] =	vst v63  }
0xad: {  	_ =	swait.ge [sflag:s30], $0x1400  }
0xae: {  	[sflag:s30] =	ssyncset.done $0x0  }
0xaf: {  	s7 =	simm.s32 $0x9AB0;
	[sflag:s30] =	ssyncadd.s32 $0xFFFFEC00  }
0xb0: {  	[spmem:s3] =	stream.indirect.scatter.add.f32 [tilespmem:s18], [sflag:$0x6], $0x40, s7, s19, $0xb8;
	[tilespmem:$0x1A040] =	vst v63  }
0xb1: {  	_ =	swait.ge [sflag:s31], $0x1400  }
0xb2: {  	[sflag:s31] =	ssyncset.done $0x0  }
0xb3: {  	s9 =	simm.s32 $0x9B00;
	[sflag:s31] =	ssyncadd.s32 $0xFFFFEC00  }
0xb4: {  	[spmem:s3] =	stream.indirect.scatter.add.f32 [tilespmem:s20], [sflag:$0x7], $0x40, s9, s19, $0xb8;
	[tilespmem:$0x1A040] =	vst v63  }
0xb5: {  	_ =	swait.ge [sflag:s0], $0x1400  }
0xb6: {  	[sflag:s0] =	ssyncset.done $0x0  }
0xb7: {  	s10 =	simm.s32 $0x9B50;
	[sflag:s0] =	ssyncadd.s32 $0xFFFFEC00  }
0xb8: {  	[spmem:s3] =	stream.indirect.scatter.add.f32 [tilespmem:s23], [sflag:$0x8], $0x40, s10, s19, $0xb8;
	[tilespmem:$0x1A040] =	vst v63  }
0xb9: {  	_ =	swait.ge [sflag:s17], $0x1400  }
0xba: {  	[sflag:s17] =	ssyncset.done $0x0  }
0xbb: {  	s9 =	simm.s32 $0x9BA0;
	[sflag:s17] =	ssyncadd.s32 $0xFFFFEC00  }
0xbc: {  	[spmem:s3] =	stream.indirect.scatter.add.f32 [tilespmem:s26], [sflag:$0x9], $0x40, s9, s19, $0xb8;
	[tilespmem:$0x1A040] =	vst v63  }
0xbd: {  	_ =	swait.ge [sflag:s21], $0x1400  }
0xbe: {  	[sflag:s21] =	ssyncset.done $0x0  }
0xbf: {  	s10 =	simm.s32 $0x9BF0;
	[sflag:s21] =	ssyncadd.s32 $0xFFFFEC00  }
0xc0: {  	[spmem:s3] =	stream.indirect.scatter.add.f32 [tilespmem:s29], [sflag:$0xA], $0x40, s10, s19, $0xb8;
	[tilespmem:$0x1A040] =	vst v63  }
0xc1: {  	_ =	swait.ge [sflag:s2], $0x1400  }
0xc2: {  	[sflag:s2] =	ssyncset.done $0x0  }
0xc3: {  	[sflag:s2] =	ssyncadd.s32 $0xFFFFEC00  }
0xc4: {  	_ =	swait.ge [sflag:s25], $0x1400  }
0xc5: {  	[sflag:s25] =	ssyncset.done $0x0  }
0xc6: {  	[sflag:s25] =	ssyncadd.s32 $0xFFFFEC00  }
0xc7: {  	_ =	swait.ge [sflag:s28], $0x1400  }
0xc8: {  	[sflag:s28] =	ssyncset.done $0x0  }
0xc9: {  	[sflag:s28] =	ssyncadd.s32 $0xFFFFEC00  }
0xca: {  	_ =	swait.ge [sflag:s4], $0x1400  }
0xcb: {  	[sflag:s4] =	ssyncset.done $0x0  }
0xcc: {  	[sflag:s4] =	ssyncadd.s32 $0xFFFFEC00  }
0xcd: {  	_ =	swait.ge [sflag:s5], $0x1400  }
0xce: {  	s9 =	stileid.u32;
	[sflag:s5] =	ssyncset.done $0x0  }
0xcf: {  	s7 =	sshll.u32 s9, $0x6;
	[sflag:s5] =	ssyncadd.s32 $0xFFFFEC00  }
0xd0: {  	s7 =	sor.u32 $0x1C0B, s7;
	[bflag:$0x0] =	sbarrier.arrive $0xFFFF  }
0xd1: {  	[hbm:s22], [sflag:s7] =	dma.local [spmem:s24], $0x1400  }
0xd2: {  	_ =	swait.ge [sflag:s16], $0x1400  }
0xd3: {  	s6 =	sadd.s32 $0x1, s6;
	s10 =	rddreg [dreg:$0x6]  }
0xd4: {  	p0 =	sne.s32 s6, s10  }
.Ltmp3:
0xd5: {  	_ = 	snop;
	(pc) =	sbr.rel @p0 .LBB2_1-.Ltmp3, $3  }
0xd6: {  	_ =	sdelay $0x1  }
0xd7: {  	[sflag:s16] =	ssyncset.done $0x0  }
0xd8: {  	[sflag:s16] =	ssyncadd.s32 $0xFFFFEC00  }
0xd9: {  	_ =	sfence.sel $0x180000  }
0xda: {  	[bflag:$0x0] =	sbarrier.arrive $0xFFFF  }
0xdb: {  	_ =	strace $0x90000047  }
0xdc: {  	s0 =	stileid.u32;
	[bflag:$0x2] =	sbarrier.arrive $0xFFFF  }
0xdd: {  	p0 =	sne.s32 s0, $0x0;
	s0 =	rddreg [dreg:$0x3]  }
0xde: {  	s0 =	sadd.s32 @!p0 $0x100000, s0  }
0xdf: {  	[sflag:s0] =	ssyncadd.tile.s32 @!p0 $0x1;
	_ =	shalt  }
.Lfunc_end2:
_tile_overlayer_lowered:
.L_overlay_start_2:
0xe0: {  	(tag) =	ssettag $0x2  }
0xe1: {  	s0 =	rddreg [dreg:$0x0];
	s2 =	stileid.u32  }
0xe2: {  	s1 =	rddreg [dreg:$0x1];
	p0 =	sne.s32 s2, $0x0  }
0xe3: {  	s3 =	rddreg [dreg:$0x2];
	[bflag:$0x3] =	sbarrier.arrive $0xFFFF;
	s2 =	simm.s32 @!p0 $0x1C0B  }
0xe4: {  	[timem:s3], [sflag:s2] =	dma.local @!p0 [hbm:s0], s1  }
0xe5: {  	s0 =	simm.s32 @!p0 $0xB  }
0xe6: {  	_ =	swait.ge @!p0 [sflag:s0], s1  }
0xe7: {  	s1 =	ssub.s32 @!p0 $0x0, s1;
	[sflag:s0] =	ssyncset.done @!p0 $0x0  }
0xe8: {  	[sflag:s0] =	ssyncadd.s32 @!p0 s1  }
0xe9: {  	[bflag:$0x3] =	sbarrier.arrive $0xFFFF  }
0xea: {  	_ =	shalt  }

</sc_bundles>
